<compile_context>
chip_gen: v7x
topology: tpu7x:2x2x1
jax: 0.10.2.dev20260603
libtpu: 0.0.44.dev20260713+nightly
codegen_flags: <defaults>
</compile_context>

<pallas_src>
import functools

import jax
import jax.numpy as jnp
from jax import lax
from jax.experimental import pallas as pl
from jax.experimental.pallas import tpu as pltpu
from jax.experimental.pallas import tpu_sc as plsc

_VOCAB = 1000000
_EMBED = 64
_BATCH = 4096
_SEQ = 200

_INFO = plsc.get_sparse_core_info()
_NC = _INFO.num_cores
_NS = _INFO.num_subcores
_NW = _NC * _NS

_BW = _BATCH // _NW
_NBUF = 4

_MESH = plsc.VectorSubcoreMesh(core_axis_name="c", subcore_axis_name="s")


@functools.partial(
    pl.kernel,
    out_type=jax.ShapeDtypeStruct((_SEQ, _BATCH, 2 * _EMBED), jnp.float32),
    mesh=_MESH,
    compiler_params=pltpu.CompilerParams(
        use_tc_tiling_on_sc=False, needs_layout_passes=False),
    scratch_types=[
        pltpu.VMEM((_SEQ, _BW), jnp.int32),
        pltpu.VMEM((_NBUF, _BW, _EMBED), jnp.float32),
        pltpu.SemaphoreType.DMA,
        pltpu.SemaphoreType.DMA,
        pltpu.SemaphoreType.DMA,
        pltpu.SemaphoreType.DMA,
        pltpu.SemaphoreType.DMA,
        pltpu.SemaphoreType.DMA,
        pltpu.SemaphoreType.DMA,
        pltpu.SemaphoreType.DMA,
    ],
)
def _embed_kernel(idx_hbm, table_hbm, out_hbm, idx_v, rows_v,
                  g0, g1, g2, g3, s0, s1, s2, s3):
    wid = lax.axis_index("s") * _NC + lax.axis_index("c")
    b0 = wid * _BW
    gsem = (g0, g1, g2, g3)
    ssem = (s0, s1, s2, s3)

    pltpu.sync_copy(idx_hbm.at[:, pl.ds(b0, _BW)], idx_v)

    def scale_step(s, carry):
        for j in range(_BW // 16):
            v = idx_v[s, pl.ds(16 * j, 16)]
            idx_v[s, pl.ds(16 * j, 16)] = v + v
        return carry

    lax.fori_loop(0, _SEQ, scale_step, 0)

    def gather_start(s, b):
        pltpu.async_copy(table_hbm.at[idx_v.at[s]], rows_v.at[b], gsem[b])

    def gather_wait(s, b):
        pltpu.make_async_copy(
            table_hbm.at[idx_v.at[s]], rows_v.at[b], gsem[b]).wait()

    def store_start(s, b):
        pltpu.async_copy(
            rows_v.at[b], out_hbm.at[s, pl.ds(b0, _BW), pl.ds(0, _EMBED)],
            ssem[b])

    def store_wait(s, b):
        pltpu.make_async_copy(
            rows_v.at[b], out_hbm.at[s, pl.ds(b0, _BW), pl.ds(0, _EMBED)],
            ssem[b]).wait()

    for b in range(_NBUF):
        gather_start(b, b)

    def step(k, carry):
        for b in range(_NBUF):
            s = k * _NBUF + b
            gather_wait(s, b)
            store_start(s, b)
            store_wait(s, b)

            @pl.when(s + _NBUF < _SEQ)
            def _():
                gather_start(s + _NBUF, b)

        return carry

    lax.fori_loop(0, _SEQ // _NBUF, step, 0)


_WBLK = 8192


def _wprep_body(w_ref, out_ref):
    x = w_ref[...]
    eye = (lax.broadcasted_iota(jnp.int32, (_EMBED, _EMBED), 0)
           == lax.broadcasted_iota(jnp.int32, (_EMBED, _EMBED), 1)
           ).astype(jnp.float32)
    xt = lax.dot_general(x, eye, (((0,), (0,)), ((), ())),
                         precision=lax.Precision.HIGHEST,
                         preferred_element_type=jnp.float32)
    out_ref[...] = jnp.concatenate([xt, xt], axis=1)


_wprep = pl.pallas_call(
    _wprep_body,
    grid=((_VOCAB + _WBLK - 1) // _WBLK,),
    in_specs=[pl.BlockSpec((_EMBED, _WBLK), lambda i: (0, i))],
    out_specs=pl.BlockSpec((_WBLK, 2 * _EMBED), lambda i: (i, 0)),
    out_shape=jax.ShapeDtypeStruct((_VOCAB, 2 * _EMBED), jnp.float32),
)


def kernel(input, weight):
    idx_t = input.T.astype(jnp.int32)
    table = _wprep(weight.T).reshape(2 * _VOCAB, _EMBED)
    out = _embed_kernel(idx_t, table)
    return out[:, :, :_EMBED]

# --- scband reference (transcript-rebuilt; emitter-appended) ---
"""Pipeline reference for scband-my-embedding-32435593020207 (READ-ONLY COPY).

The authoritative reference and input builder live on the scoring server;
editing this copy changes nothing except your own understanding.
"""

import jax, jax.numpy as jnp
import numpy as np

VOCAB = 1000000
EMBED = 64
BATCH = 4096
SEQ = 200

def setup_inputs(seed: int = 0) -> dict:
    key = jax.random.key(seed)
    k_idx, k_w = jax.random.split(key)
    inp = jax.random.randint(k_idx, (BATCH, SEQ), 0, VOCAB, dtype=jnp.int64 if jax.config.jax_enable_x64 else jnp.int32)
    weight = 0.01 * jax.random.normal(k_w, (VOCAB, EMBED), dtype=jnp.float32)
    return {"input": inp, "weight": weight}

def reference(input, weight):
    # transpose=True: embed input.T -> shape (num_seq, batch_size, embed_size)
    e = jnp.take(weight, input.T, axis=0)
    return e

if __name__ == "__main__":
    import jax
    _d = setup_inputs()
    print(jax.jit(kernel)(*tuple(_d.values())))

</pallas_src>

<mosaic_0001>
#map = affine_map<(d0, d1) -> (0, 0)>
#map1 = affine_map<(d0, d1) -> (0, 0, 0)>
module attributes {stable_mosaic.version = 14 : i64} {
  func.func @_embed_kernel(%arg0: i32, %arg1: i32, %arg2: memref<200x4096xi32, #tpu.memory_space<hbm>>, %arg3: memref<2000000x64xf32, #tpu.memory_space<hbm>>, %arg4: memref<200x4096x128xf32, #tpu.memory_space<hbm>>, %arg5: memref<200x128xi32, #tpu.memory_space<vmem>>, %arg6: memref<4x128x64xf32, #tpu.memory_space<vmem>>, %arg7: memref<!tpu.dma_semaphore, #tpu.memory_space<semaphore_mem>>, %arg8: memref<!tpu.dma_semaphore, #tpu.memory_space<semaphore_mem>>, %arg9: memref<!tpu.dma_semaphore, #tpu.memory_space<semaphore_mem>>, %arg10: memref<!tpu.dma_semaphore, #tpu.memory_space<semaphore_mem>>, %arg11: memref<!tpu.dma_semaphore, #tpu.memory_space<semaphore_mem>>, %arg12: memref<!tpu.dma_semaphore, #tpu.memory_space<semaphore_mem>>, %arg13: memref<!tpu.dma_semaphore, #tpu.memory_space<semaphore_mem>>, %arg14: memref<!tpu.dma_semaphore, #tpu.memory_space<semaphore_mem>>) attributes {dimension_semantics = [#tpu.dimension_semantics<core_parallel>, #tpu.dimension_semantics<subcore_parallel>], iteration_bounds = array<i64: 2, 16>, scalar_prefetch = 0 : i64, scratch_operands = 10 : i64, tpu.core_type = #tpu.core_type<sc_vector_subcore>, window_params = [{transform_indices = #map}, {transform_indices = #map}, {transform_indices = #map1}]} {
    %mul3A = arith.constant 2 : i32
    %mul3A_0 = arith.muli %arg1, %mul3A : i32
    %add3A = arith.addi %mul3A_0, %arg0 : i32
    %mul3A_1 = arith.constant 128 : i32
    %mul3A_2 = arith.muli %add3A, %mul3A_1 : i32
    "tpu.region"() ({
      %run_scoped3A = tpu.sem_alloc : memref<!tpu.dma_semaphore, #tpu.memory_space<semaphore_mem>>
      %dma_start3A_61 = arith.constant 0 : i32
      %dma_start3A_62 = tpu.memref_slice %arg2[%dma_start3A_61, %mul3A_2] : memref<200x4096xi32, #tpu.memory_space<hbm>> -> memref<200x128xi32, #tpu.memory_space<hbm>>
      %dma_start3A_63 = arith.constant 0 : i32
      %dma_start3A_64 = tpu.memref_slice %arg2[%dma_start3A_63, %mul3A_2] : memref<200x4096xi32, #tpu.memory_space<hbm>> -> memref<200x128xi32, #tpu.memory_space<hbm>>
      tpu.enqueue_dma source(%dma_start3A_64 : memref<200x128xi32, #tpu.memory_space<hbm>>) target(%arg5 : memref<200x128xi32, #tpu.memory_space<vmem>>) target_semaphore(%run_scoped3A : memref<!tpu.dma_semaphore, #tpu.memory_space<semaphore_mem>>)
      %dma_wait3A = arith.constant 0 : i32
      %dma_wait3A_65 = tpu.memref_slice %arg2[%dma_wait3A, %mul3A_2] : memref<200x4096xi32, #tpu.memory_space<hbm>> -> memref<200x128xi32, #tpu.memory_space<hbm>>
      %dma_wait3A_66 = arith.constant 0 : i32
      %dma_wait3A_67 = tpu.memref_slice %arg2[%dma_wait3A_66, %mul3A_2] : memref<200x4096xi32, #tpu.memory_space<hbm>> -> memref<200x128xi32, #tpu.memory_space<hbm>>
      tpu.wait_dma2 semaphore(%run_scoped3A : memref<!tpu.dma_semaphore, #tpu.memory_space<semaphore_mem>>) src(%dma_wait3A_67 : memref<200x128xi32, #tpu.memory_space<hbm>>) dst(%arg5 : memref<200x128xi32, #tpu.memory_space<vmem>>)
      tpu.yield
    }) : () -> ()
    %scan3A = arith.constant 0 : i32
    %scan3A_3 = arith.constant 0 : i32
    %scan3A_4 = arith.constant 200 : i32
    %scan3A_5 = arith.addi %scan3A_3, %scan3A_4 : i32
    %scan3A_6 = arith.constant 1 : i32
    scf.for %scan3A_61 = %scan3A_3 to %scan3A_5 step %scan3A_6  : i32 {
      %get3A = arith.index_cast %scan3A_61 : i32 to index
      %get3A_62 = arith.constant 0 : index
      %get3A_63 = tpu.vector_load %arg5[%get3A, %get3A_62] {strides = array<i32>} : memref<200x128xi32, #tpu.memory_space<vmem>>, vector<16xi32>,
      %add3A_64 = arith.addi %get3A_63, %get3A_63 : vector<16xi32>
      %swap3A = arith.index_cast %scan3A_61 : i32 to index
      %swap3A_65 = arith.constant 0 : index
      %swap3A_66 = tpu.vector_load %arg5[%swap3A, %swap3A_65] {strides = array<i32>} : memref<200x128xi32, #tpu.memory_space<vmem>>, vector<16xi32>,
      tpu.vector_store %arg5[%swap3A, %swap3A_65], %add3A_64 {strides = array<i32>} : memref<200x128xi32, #tpu.memory_space<vmem>>, vector<16xi32>,
      %get3A_67 = arith.index_cast %scan3A_61 : i32 to index
      %get3A_68 = arith.constant 16 : index
      %get3A_69 = tpu.vector_load %arg5[%get3A_67, %get3A_68] {strides = array<i32>} : memref<200x128xi32, #tpu.memory_space<vmem>>, vector<16xi32>,
      %add3A_70 = arith.addi %get3A_69, %get3A_69 : vector<16xi32>
      %swap3A_71 = arith.index_cast %scan3A_61 : i32 to index
      %swap3A_72 = arith.constant 16 : index
      %swap3A_73 = tpu.vector_load %arg5[%swap3A_71, %swap3A_72] {strides = array<i32>} : memref<200x128xi32, #tpu.memory_space<vmem>>, vector<16xi32>,
      tpu.vector_store %arg5[%swap3A_71, %swap3A_72], %add3A_70 {strides = array<i32>} : memref<200x128xi32, #tpu.memory_space<vmem>>, vector<16xi32>,
      %get3A_74 = arith.index_cast %scan3A_61 : i32 to index
      %get3A_75 = arith.constant 32 : index
      %get3A_76 = tpu.vector_load %arg5[%get3A_74, %get3A_75] {strides = array<i32>} : memref<200x128xi32, #tpu.memory_space<vmem>>, vector<16xi32>,
      %add3A_77 = arith.addi %get3A_76, %get3A_76 : vector<16xi32>
      %swap3A_78 = arith.index_cast %scan3A_61 : i32 to index
      %swap3A_79 = arith.constant 32 : index
      %swap3A_80 = tpu.vector_load %arg5[%swap3A_78, %swap3A_79] {strides = array<i32>} : memref<200x128xi32, #tpu.memory_space<vmem>>, vector<16xi32>,
      tpu.vector_store %arg5[%swap3A_78, %swap3A_79], %add3A_77 {strides = array<i32>} : memref<200x128xi32, #tpu.memory_space<vmem>>, vector<16xi32>,
      %get3A_81 = arith.index_cast %scan3A_61 : i32 to index
      %get3A_82 = arith.constant 48 : index
      %get3A_83 = tpu.vector_load %arg5[%get3A_81, %get3A_82] {strides = array<i32>} : memref<200x128xi32, #tpu.memory_space<vmem>>, vector<16xi32>,
      %add3A_84 = arith.addi %get3A_83, %get3A_83 : vector<16xi32>
      %swap3A_85 = arith.index_cast %scan3A_61 : i32 to index
      %swap3A_86 = arith.constant 48 : index
      %swap3A_87 = tpu.vector_load %arg5[%swap3A_85, %swap3A_86] {strides = array<i32>} : memref<200x128xi32, #tpu.memory_space<vmem>>, vector<16xi32>,
      tpu.vector_store %arg5[%swap3A_85, %swap3A_86], %add3A_84 {strides = array<i32>} : memref<200x128xi32, #tpu.memory_space<vmem>>, vector<16xi32>,
      %get3A_88 = arith.index_cast %scan3A_61 : i32 to index
      %get3A_89 = arith.constant 64 : index
      %get3A_90 = tpu.vector_load %arg5[%get3A_88, %get3A_89] {strides = array<i32>} : memref<200x128xi32, #tpu.memory_space<vmem>>, vector<16xi32>,
      %add3A_91 = arith.addi %get3A_90, %get3A_90 : vector<16xi32>
      %swap3A_92 = arith.index_cast %scan3A_61 : i32 to index
      %swap3A_93 = arith.constant 64 : index
      %swap3A_94 = tpu.vector_load %arg5[%swap3A_92, %swap3A_93] {strides = array<i32>} : memref<200x128xi32, #tpu.memory_space<vmem>>, vector<16xi32>,
      tpu.vector_store %arg5[%swap3A_92, %swap3A_93], %add3A_91 {strides = array<i32>} : memref<200x128xi32, #tpu.memory_space<vmem>>, vector<16xi32>,
      %get3A_95 = arith.index_cast %scan3A_61 : i32 to index
      %get3A_96 = arith.constant 80 : index
      %get3A_97 = tpu.vector_load %arg5[%get3A_95, %get3A_96] {strides = array<i32>} : memref<200x128xi32, #tpu.memory_space<vmem>>, vector<16xi32>,
      %add3A_98 = arith.addi %get3A_97, %get3A_97 : vector<16xi32>
      %swap3A_99 = arith.index_cast %scan3A_61 : i32 to index
      %swap3A_100 = arith.constant 80 : index
      %swap3A_101 = tpu.vector_load %arg5[%swap3A_99, %swap3A_100] {strides = array<i32>} : memref<200x128xi32, #tpu.memory_space<vmem>>, vector<16xi32>,
      tpu.vector_store %arg5[%swap3A_99, %swap3A_100], %add3A_98 {strides = array<i32>} : memref<200x128xi32, #tpu.memory_space<vmem>>, vector<16xi32>,
      %get3A_102 = arith.index_cast %scan3A_61 : i32 to index
      %get3A_103 = arith.constant 96 : index
      %get3A_104 = tpu.vector_load %arg5[%get3A_102, %get3A_103] {strides = array<i32>} : memref<200x128xi32, #tpu.memory_space<vmem>>, vector<16xi32>,
      %add3A_105 = arith.addi %get3A_104, %get3A_104 : vector<16xi32>
      %swap3A_106 = arith.index_cast %scan3A_61 : i32 to index
      %swap3A_107 = arith.constant 96 : index
      %swap3A_108 = tpu.vector_load %arg5[%swap3A_106, %swap3A_107] {strides = array<i32>} : memref<200x128xi32, #tpu.memory_space<vmem>>, vector<16xi32>,
      tpu.vector_store %arg5[%swap3A_106, %swap3A_107], %add3A_105 {strides = array<i32>} : memref<200x128xi32, #tpu.memory_space<vmem>>, vector<16xi32>,
      %get3A_109 = arith.index_cast %scan3A_61 : i32 to index
      %get3A_110 = arith.constant 112 : index
      %get3A_111 = tpu.vector_load %arg5[%get3A_109, %get3A_110] {strides = array<i32>} : memref<200x128xi32, #tpu.memory_space<vmem>>, vector<16xi32>,
      %add3A_112 = arith.addi %get3A_111, %get3A_111 : vector<16xi32>
      %swap3A_113 = arith.index_cast %scan3A_61 : i32 to index
      %swap3A_114 = arith.constant 112 : index
      %swap3A_115 = tpu.vector_load %arg5[%swap3A_113, %swap3A_114] {strides = array<i32>} : memref<200x128xi32, #tpu.memory_space<vmem>>, vector<16xi32>,
      tpu.vector_store %arg5[%swap3A_113, %swap3A_114], %add3A_112 {strides = array<i32>} : memref<200x128xi32, #tpu.memory_space<vmem>>, vector<16xi32>,
    }
    %scan3A_7 = arith.constant 200 : i32
    %dma_start3A = arith.constant 0 : i32
    %dma_start3A_8 = arith.constant 0 : i32
    %dma_start3A_9 = arith.constant 0 : i32
    %dma_start3A_10 = arith.constant 0 : i32
    %dma_start3A_11 = tpu.memref_slice %arg6[%dma_start3A_8, %dma_start3A_9, %dma_start3A_10] : memref<4x128x64xf32, #tpu.memory_space<vmem>> -> memref<1x128x64xf32, #tpu.memory_space<vmem>>
    %dma_start3A_12 = tpu.memref_squeeze %dma_start3A_11 : memref<1x128x64xf32, #tpu.memory_space<vmem>> -> memref<128x64xf32, #tpu.memory_space<vmem>>
    %dma_start3A_13 = arith.constant 0 : i32
    %dma_start3A_14 = tpu.memref_slice %arg5[%dma_start3A, %dma_start3A_13] : memref<200x128xi32, #tpu.memory_space<vmem>> -> memref<1x128xi32, #tpu.memory_space<vmem>>
    %dma_start3A_15 = tpu.memref_squeeze %dma_start3A_14 : memref<1x128xi32, #tpu.memory_space<vmem>> -> memref<128xi32, #tpu.memory_space<vmem>>
    %dma_start3A_16 = arith.constant 0 : i32
    %dma_start3A_17 = arith.constant 0 : i32
    %dma_start3A_18 = tpu.memref_slice %arg3[%dma_start3A_16, %dma_start3A_17] : memref<2000000x64xf32, #tpu.memory_space<hbm>> -> memref<2000000x64xf32, #tpu.memory_space<hbm>>
    tpu.enqueue_indirect_dma source(%dma_start3A_18 : memref<2000000x64xf32, #tpu.memory_space<hbm>>) target(%dma_start3A_12 : memref<128x64xf32, #tpu.memory_space<vmem>>) offsets(%dma_start3A_15 : memref<128xi32, #tpu.memory_space<vmem>>) semaphore(%arg7 : memref<!tpu.dma_semaphore, #tpu.memory_space<semaphore_mem>>)
    %dma_start3A_19 = arith.constant 1 : i32
    %dma_start3A_20 = arith.constant 1 : i32
    %dma_start3A_21 = arith.constant 0 : i32
    %dma_start3A_22 = arith.constant 0 : i32
    %dma_start3A_23 = tpu.memref_slice %arg6[%dma_start3A_20, %dma_start3A_21, %dma_start3A_22] : memref<4x128x64xf32, #tpu.memory_space<vmem>> -> memref<1x128x64xf32, #tpu.memory_space<vmem>>
    %dma_start3A_24 = tpu.memref_squeeze %dma_start3A_23 : memref<1x128x64xf32, #tpu.memory_space<vmem>> -> memref<128x64xf32, #tpu.memory_space<vmem>>
    %dma_start3A_25 = arith.constant 0 : i32
    %dma_start3A_26 = tpu.memref_slice %arg5[%dma_start3A_19, %dma_start3A_25] : memref<200x128xi32, #tpu.memory_space<vmem>> -> memref<1x128xi32, #tpu.memory_space<vmem>>
    %dma_start3A_27 = tpu.memref_squeeze %dma_start3A_26 : memref<1x128xi32, #tpu.memory_space<vmem>> -> memref<128xi32, #tpu.memory_space<vmem>>
    %dma_start3A_28 = arith.constant 0 : i32
    %dma_start3A_29 = arith.constant 0 : i32
    %dma_start3A_30 = tpu.memref_slice %arg3[%dma_start3A_28, %dma_start3A_29] : memref<2000000x64xf32, #tpu.memory_space<hbm>> -> memref<2000000x64xf32, #tpu.memory_space<hbm>>
    tpu.enqueue_indirect_dma source(%dma_start3A_30 : memref<2000000x64xf32, #tpu.memory_space<hbm>>) target(%dma_start3A_24 : memref<128x64xf32, #tpu.memory_space<vmem>>) offsets(%dma_start3A_27 : memref<128xi32, #tpu.memory_space<vmem>>) semaphore(%arg8 : memref<!tpu.dma_semaphore, #tpu.memory_space<semaphore_mem>>)
    %dma_start3A_31 = arith.constant 2 : i32
    %dma_start3A_32 = arith.constant 2 : i32
    %dma_start3A_33 = arith.constant 0 : i32
    %dma_start3A_34 = arith.constant 0 : i32
    %dma_start3A_35 = tpu.memref_slice %arg6[%dma_start3A_32, %dma_start3A_33, %dma_start3A_34] : memref<4x128x64xf32, #tpu.memory_space<vmem>> -> memref<1x128x64xf32, #tpu.memory_space<vmem>>
    %dma_start3A_36 = tpu.memref_squeeze %dma_start3A_35 : memref<1x128x64xf32, #tpu.memory_space<vmem>> -> memref<128x64xf32, #tpu.memory_space<vmem>>
    %dma_start3A_37 = arith.constant 0 : i32
    %dma_start3A_38 = tpu.memref_slice %arg5[%dma_start3A_31, %dma_start3A_37] : memref<200x128xi32, #tpu.memory_space<vmem>> -> memref<1x128xi32, #tpu.memory_space<vmem>>
    %dma_start3A_39 = tpu.memref_squeeze %dma_start3A_38 : memref<1x128xi32, #tpu.memory_space<vmem>> -> memref<128xi32, #tpu.memory_space<vmem>>
    %dma_start3A_40 = arith.constant 0 : i32
    %dma_start3A_41 = arith.constant 0 : i32
    %dma_start3A_42 = tpu.memref_slice %arg3[%dma_start3A_40, %dma_start3A_41] : memref<2000000x64xf32, #tpu.memory_space<hbm>> -> memref<2000000x64xf32, #tpu.memory_space<hbm>>
    tpu.enqueue_indirect_dma source(%dma_start3A_42 : memref<2000000x64xf32, #tpu.memory_space<hbm>>) target(%dma_start3A_36 : memref<128x64xf32, #tpu.memory_space<vmem>>) offsets(%dma_start3A_39 : memref<128xi32, #tpu.memory_space<vmem>>) semaphore(%arg9 : memref<!tpu.dma_semaphore, #tpu.memory_space<semaphore_mem>>)
    %dma_start3A_43 = arith.constant 3 : i32
    %dma_start3A_44 = arith.constant 3 : i32
    %dma_start3A_45 = arith.constant 0 : i32
    %dma_start3A_46 = arith.constant 0 : i32
    %dma_start3A_47 = tpu.memref_slice %arg6[%dma_start3A_44, %dma_start3A_45, %dma_start3A_46] : memref<4x128x64xf32, #tpu.memory_space<vmem>> -> memref<1x128x64xf32, #tpu.memory_space<vmem>>
    %dma_start3A_48 = tpu.memref_squeeze %dma_start3A_47 : memref<1x128x64xf32, #tpu.memory_space<vmem>> -> memref<128x64xf32, #tpu.memory_space<vmem>>
    %dma_start3A_49 = arith.constant 0 : i32
    %dma_start3A_50 = tpu.memref_slice %arg5[%dma_start3A_43, %dma_start3A_49] : memref<200x128xi32, #tpu.memory_space<vmem>> -> memref<1x128xi32, #tpu.memory_space<vmem>>
    %dma_start3A_51 = tpu.memref_squeeze %dma_start3A_50 : memref<1x128xi32, #tpu.memory_space<vmem>> -> memref<128xi32, #tpu.memory_space<vmem>>
    %dma_start3A_52 = arith.constant 0 : i32
    %dma_start3A_53 = arith.constant 0 : i32
    %dma_start3A_54 = tpu.memref_slice %arg3[%dma_start3A_52, %dma_start3A_53] : memref<2000000x64xf32, #tpu.memory_space<hbm>> -> memref<2000000x64xf32, #tpu.memory_space<hbm>>
    tpu.enqueue_indirect_dma source(%dma_start3A_54 : memref<2000000x64xf32, #tpu.memory_space<hbm>>) target(%dma_start3A_48 : memref<128x64xf32, #tpu.memory_space<vmem>>) offsets(%dma_start3A_51 : memref<128xi32, #tpu.memory_space<vmem>>) semaphore(%arg10 : memref<!tpu.dma_semaphore, #tpu.memory_space<semaphore_mem>>)
    %scan3A_55 = arith.constant 0 : i32
    %scan3A_56 = arith.constant 0 : i32
    %scan3A_57 = arith.constant 50 : i32
    %scan3A_58 = arith.addi %scan3A_56, %scan3A_57 : i32
    %scan3A_59 = arith.constant 1 : i32
    scf.for %scan3A_61 = %scan3A_56 to %scan3A_58 step %scan3A_59  : i32 {
      %mul3A_62 = arith.constant 4 : i32
      %mul3A_63 = arith.muli %scan3A_61, %mul3A_62 : i32
      %add3A_64 = arith.constant 0 : i32
      %add3A_65 = arith.addi %mul3A_63, %add3A_64 : i32
      %dma_wait3A = arith.constant 0 : i32
      %dma_wait3A_66 = arith.constant 0 : i32
      %dma_wait3A_67 = arith.constant 0 : i32
      %dma_wait3A_68 = tpu.memref_slice %arg6[%dma_wait3A, %dma_wait3A_66, %dma_wait3A_67] : memref<4x128x64xf32, #tpu.memory_space<vmem>> -> memref<1x128x64xf32, #tpu.memory_space<vmem>>
      %dma_wait3A_69 = tpu.memref_squeeze %dma_wait3A_68 : memref<1x128x64xf32, #tpu.memory_space<vmem>> -> memref<128x64xf32, #tpu.memory_space<vmem>>
      %dma_wait3A_70 = arith.constant 0 : i32
      %dma_wait3A_71 = tpu.memref_slice %arg5[%add3A_65, %dma_wait3A_70] : memref<200x128xi32, #tpu.memory_space<vmem>> -> memref<1x128xi32, #tpu.memory_space<vmem>>
      %dma_wait3A_72 = tpu.memref_squeeze %dma_wait3A_71 : memref<1x128xi32, #tpu.memory_space<vmem>> -> memref<128xi32, #tpu.memory_space<vmem>>
      %dma_wait3A_73 = arith.constant 0 : i32
      %dma_wait3A_74 = arith.constant 0 : i32
      %dma_wait3A_75 = tpu.memref_slice %arg3[%dma_wait3A_73, %dma_wait3A_74] : memref<2000000x64xf32, #tpu.memory_space<hbm>> -> memref<2000000x64xf32, #tpu.memory_space<hbm>>
      tpu.wait_indirect_dma semaphore(%arg7 : memref<!tpu.dma_semaphore, #tpu.memory_space<semaphore_mem>>) src(%dma_wait3A_75 : memref<2000000x64xf32, #tpu.memory_space<hbm>>) dst(%dma_wait3A_69 : memref<128x64xf32, #tpu.memory_space<vmem>>)
      %dma_start3A_76 = arith.constant 0 : i32
      %dma_start3A_77 = arith.constant 0 : i32
      %dma_start3A_78 = arith.constant 0 : i32
      %dma_start3A_79 = tpu.memref_slice %arg6[%dma_start3A_76, %dma_start3A_77, %dma_start3A_78] : memref<4x128x64xf32, #tpu.memory_space<vmem>> -> memref<1x128x64xf32, #tpu.memory_space<vmem>>
      %dma_start3A_80 = tpu.memref_squeeze %dma_start3A_79 : memref<1x128x64xf32, #tpu.memory_space<vmem>> -> memref<128x64xf32, #tpu.memory_space<vmem>>
      %dma_start3A_81 = arith.constant 0 : i32
      %dma_start3A_82 = tpu.memref_slice %arg4[%add3A_65, %mul3A_2, %dma_start3A_81] : memref<200x4096x128xf32, #tpu.memory_space<hbm>> -> memref<1x128x64xf32, #tpu.memory_space<hbm>>
      %dma_start3A_83 = tpu.memref_squeeze %dma_start3A_82 : memref<1x128x64xf32, #tpu.memory_space<hbm>> -> memref<128x64xf32, #tpu.memory_space<hbm>>
      %dma_start3A_84 = arith.constant 0 : i32
      %dma_start3A_85 = tpu.memref_slice %arg4[%add3A_65, %mul3A_2, %dma_start3A_84] : memref<200x4096x128xf32, #tpu.memory_space<hbm>> -> memref<1x128x64xf32, #tpu.memory_space<hbm>>
      %dma_start3A_86 = tpu.memref_squeeze %dma_start3A_85 : memref<1x128x64xf32, #tpu.memory_space<hbm>> -> memref<128x64xf32, #tpu.memory_space<hbm>>
      %dma_start3A_87 = arith.constant 0 : i32
      %dma_start3A_88 = arith.constant 0 : i32
      %dma_start3A_89 = tpu.memref_slice %arg6[%dma_start3A_76, %dma_start3A_87, %dma_start3A_88] : memref<4x128x64xf32, #tpu.memory_space<vmem>> -> memref<1x128x64xf32, #tpu.memory_space<vmem>>
      %dma_start3A_90 = tpu.memref_squeeze %dma_start3A_89 : memref<1x128x64xf32, #tpu.memory_space<vmem>> -> memref<128x64xf32, #tpu.memory_space<vmem>>
      tpu.enqueue_dma source(%dma_start3A_90 : memref<128x64xf32, #tpu.memory_space<vmem>>) target(%dma_start3A_86 : memref<128x64xf32, #tpu.memory_space<hbm>>) target_semaphore(%arg11 : memref<!tpu.dma_semaphore, #tpu.memory_space<semaphore_mem>>)
      %dma_wait3A_91 = arith.constant 0 : i32
      %dma_wait3A_92 = arith.constant 0 : i32
      %dma_wait3A_93 = arith.constant 0 : i32
      %dma_wait3A_94 = tpu.memref_slice %arg6[%dma_wait3A_91, %dma_wait3A_92, %dma_wait3A_93] : memref<4x128x64xf32, #tpu.memory_space<vmem>> -> memref<1x128x64xf32, #tpu.memory_space<vmem>>
      %dma_wait3A_95 = tpu.memref_squeeze %dma_wait3A_94 : memref<1x128x64xf32, #tpu.memory_space<vmem>> -> memref<128x64xf32, #tpu.memory_space<vmem>>
      %dma_wait3A_96 = arith.constant 0 : i32
      %dma_wait3A_97 = tpu.memref_slice %arg4[%add3A_65, %mul3A_2, %dma_wait3A_96] : memref<200x4096x128xf32, #tpu.memory_space<hbm>> -> memref<1x128x64xf32, #tpu.memory_space<hbm>>
      %dma_wait3A_98 = tpu.memref_squeeze %dma_wait3A_97 : memref<1x128x64xf32, #tpu.memory_space<hbm>> -> memref<128x64xf32, #tpu.memory_space<hbm>>
      %dma_wait3A_99 = arith.constant 0 : i32
      %dma_wait3A_100 = tpu.memref_slice %arg4[%add3A_65, %mul3A_2, %dma_wait3A_99] : memref<200x4096x128xf32, #tpu.memory_space<hbm>> -> memref<1x128x64xf32, #tpu.memory_space<hbm>>
      %dma_wait3A_101 = tpu.memref_squeeze %dma_wait3A_100 : memref<1x128x64xf32, #tpu.memory_space<hbm>> -> memref<128x64xf32, #tpu.memory_space<hbm>>
      %dma_wait3A_102 = arith.constant 0 : i32
      %dma_wait3A_103 = arith.constant 0 : i32
      %dma_wait3A_104 = tpu.memref_slice %arg6[%dma_wait3A_91, %dma_wait3A_102, %dma_wait3A_103] : memref<4x128x64xf32, #tpu.memory_space<vmem>> -> memref<1x128x64xf32, #tpu.memory_space<vmem>>
      %dma_wait3A_105 = tpu.memref_squeeze %dma_wait3A_104 : memref<1x128x64xf32, #tpu.memory_space<vmem>> -> memref<128x64xf32, #tpu.memory_space<vmem>>
      tpu.wait_dma2 semaphore(%arg11 : memref<!tpu.dma_semaphore, #tpu.memory_space<semaphore_mem>>) src(%dma_wait3A_105 : memref<128x64xf32, #tpu.memory_space<vmem>>) dst(%dma_wait3A_101 : memref<128x64xf32, #tpu.memory_space<hbm>>)
      %add3A_106 = arith.constant 4 : i32
      %add3A_107 = arith.addi %add3A_65, %add3A_106 : i32
      %lt3A = arith.constant 200 : i32
      %lt3A_108 = arith.cmpi slt, %add3A_107, %lt3A : i32
      %convert_element_type3A = arith.extui %lt3A_108 : i1 to i32
      %cond3A = arith.constant 0 : i32
      %cond3A_109 = arith.cmpi ne, %convert_element_type3A, %cond3A : i32
      scf.if %cond3A_109 {
        %add3A_266 = arith.constant 4 : i32
        %add3A_267 = arith.addi %add3A_65, %add3A_266 : i32
        %dma_start3A_268 = arith.constant 0 : i32
        %dma_start3A_269 = arith.constant 0 : i32
        %dma_start3A_270 = arith.constant 0 : i32
        %dma_start3A_271 = tpu.memref_slice %arg6[%dma_start3A_268, %dma_start3A_269, %dma_start3A_270] : memref<4x128x64xf32, #tpu.memory_space<vmem>> -> memref<1x128x64xf32, #tpu.memory_space<vmem>>
        %dma_start3A_272 = tpu.memref_squeeze %dma_start3A_271 : memref<1x128x64xf32, #tpu.memory_space<vmem>> -> memref<128x64xf32, #tpu.memory_space<vmem>>
        %dma_start3A_273 = arith.constant 0 : i32
        %dma_start3A_274 = tpu.memref_slice %arg5[%add3A_267, %dma_start3A_273] : memref<200x128xi32, #tpu.memory_space<vmem>> -> memref<1x128xi32, #tpu.memory_space<vmem>>
        %dma_start3A_275 = tpu.memref_squeeze %dma_start3A_274 : memref<1x128xi32, #tpu.memory_space<vmem>> -> memref<128xi32, #tpu.memory_space<vmem>>
        %dma_start3A_276 = arith.constant 0 : i32
        %dma_start3A_277 = arith.constant 0 : i32
        %dma_start3A_278 = tpu.memref_slice %arg3[%dma_start3A_276, %dma_start3A_277] : memref<2000000x64xf32, #tpu.memory_space<hbm>> -> memref<2000000x64xf32, #tpu.memory_space<hbm>>
        tpu.enqueue_indirect_dma source(%dma_start3A_278 : memref<2000000x64xf32, #tpu.memory_space<hbm>>) target(%dma_start3A_272 : memref<128x64xf32, #tpu.memory_space<vmem>>) offsets(%dma_start3A_275 : memref<128xi32, #tpu.memory_space<vmem>>) semaphore(%arg7 : memref<!tpu.dma_semaphore, #tpu.memory_space<semaphore_mem>>)
      } else {
      }
      %mul3A_110 = arith.constant 4 : i32
      %mul3A_111 = arith.muli %scan3A_61, %mul3A_110 : i32
      %add3A_112 = arith.constant 1 : i32
      %add3A_113 = arith.addi %mul3A_111, %add3A_112 : i32
      %dma_wait3A_114 = arith.constant 1 : i32
      %dma_wait3A_115 = arith.constant 0 : i32
      %dma_wait3A_116 = arith.constant 0 : i32
      %dma_wait3A_117 = tpu.memref_slice %arg6[%dma_wait3A_114, %dma_wait3A_115, %dma_wait3A_116] : memref<4x128x64xf32, #tpu.memory_space<vmem>> -> memref<1x128x64xf32, #tpu.memory_space<vmem>>
      %dma_wait3A_118 = tpu.memref_squeeze %dma_wait3A_117 : memref<1x128x64xf32, #tpu.memory_space<vmem>> -> memref<128x64xf32, #tpu.memory_space<vmem>>
      %dma_wait3A_119 = arith.constant 0 : i32
      %dma_wait3A_120 = tpu.memref_slice %arg5[%add3A_113, %dma_wait3A_119] : memref<200x128xi32, #tpu.memory_space<vmem>> -> memref<1x128xi32, #tpu.memory_space<vmem>>
      %dma_wait3A_121 = tpu.memref_squeeze %dma_wait3A_120 : memref<1x128xi32, #tpu.memory_space<vmem>> -> memref<128xi32, #tpu.memory_space<vmem>>
      %dma_wait3A_122 = arith.constant 0 : i32
      %dma_wait3A_123 = arith.constant 0 : i32
      %dma_wait3A_124 = tpu.memref_slice %arg3[%dma_wait3A_122, %dma_wait3A_123] : memref<2000000x64xf32, #tpu.memory_space<hbm>> -> memref<2000000x64xf32, #tpu.memory_space<hbm>>
      tpu.wait_indirect_dma semaphore(%arg8 : memref<!tpu.dma_semaphore, #tpu.memory_space<semaphore_mem>>) src(%dma_wait3A_124 : memref<2000000x64xf32, #tpu.memory_space<hbm>>) dst(%dma_wait3A_118 : memref<128x64xf32, #tpu.memory_space<vmem>>)
      %dma_start3A_125 = arith.constant 1 : i32
      %dma_start3A_126 = arith.constant 0 : i32
      %dma_start3A_127 = arith.constant 0 : i32
      %dma_start3A_128 = tpu.memref_slice %arg6[%dma_start3A_125, %dma_start3A_126, %dma_start3A_127] : memref<4x128x64xf32, #tpu.memory_space<vmem>> -> memref<1x128x64xf32, #tpu.memory_space<vmem>>
      %dma_start3A_129 = tpu.memref_squeeze %dma_start3A_128 : memref<1x128x64xf32, #tpu.memory_space<vmem>> -> memref<128x64xf32, #tpu.memory_space<vmem>>
      %dma_start3A_130 = arith.constant 0 : i32
      %dma_start3A_131 = tpu.memref_slice %arg4[%add3A_113, %mul3A_2, %dma_start3A_130] : memref<200x4096x128xf32, #tpu.memory_space<hbm>> -> memref<1x128x64xf32, #tpu.memory_space<hbm>>
      %dma_start3A_132 = tpu.memref_squeeze %dma_start3A_131 : memref<1x128x64xf32, #tpu.memory_space<hbm>> -> memref<128x64xf32, #tpu.memory_space<hbm>>
      %dma_start3A_133 = arith.constant 0 : i32
      %dma_start3A_134 = tpu.memref_slice %arg4[%add3A_113, %mul3A_2, %dma_start3A_133] : memref<200x4096x128xf32, #tpu.memory_space<hbm>> -> memref<1x128x64xf32, #tpu.memory_space<hbm>>
      %dma_start3A_135 = tpu.memref_squeeze %dma_start3A_134 : memref<1x128x64xf32, #tpu.memory_space<hbm>> -> memref<128x64xf32, #tpu.memory_space<hbm>>
      %dma_start3A_136 = arith.constant 0 : i32
      %dma_start3A_137 = arith.constant 0 : i32
      %dma_start3A_138 = tpu.memref_slice %arg6[%dma_start3A_125, %dma_start3A_136, %dma_start3A_137] : memref<4x128x64xf32, #tpu.memory_space<vmem>> -> memref<1x128x64xf32, #tpu.memory_space<vmem>>
      %dma_start3A_139 = tpu.memref_squeeze %dma_start3A_138 : memref<1x128x64xf32, #tpu.memory_space<vmem>> -> memref<128x64xf32, #tpu.memory_space<vmem>>
      tpu.enqueue_dma source(%dma_start3A_139 : memref<128x64xf32, #tpu.memory_space<vmem>>) target(%dma_start3A_135 : memref<128x64xf32, #tpu.memory_space<hbm>>) target_semaphore(%arg12 : memref<!tpu.dma_semaphore, #tpu.memory_space<semaphore_mem>>)
      %dma_wait3A_140 = arith.constant 1 : i32
      %dma_wait3A_141 = arith.constant 0 : i32
      %dma_wait3A_142 = arith.constant 0 : i32
      %dma_wait3A_143 = tpu.memref_slice %arg6[%dma_wait3A_140, %dma_wait3A_141, %dma_wait3A_142] : memref<4x128x64xf32, #tpu.memory_space<vmem>> -> memref<1x128x64xf32, #tpu.memory_space<vmem>>
      %dma_wait3A_144 = tpu.memref_squeeze %dma_wait3A_143 : memref<1x128x64xf32, #tpu.memory_space<vmem>> -> memref<128x64xf32, #tpu.memory_space<vmem>>
      %dma_wait3A_145 = arith.constant 0 : i32
      %dma_wait3A_146 = tpu.memref_slice %arg4[%add3A_113, %mul3A_2, %dma_wait3A_145] : memref<200x4096x128xf32, #tpu.memory_space<hbm>> -> memref<1x128x64xf32, #tpu.memory_space<hbm>>
      %dma_wait3A_147 = tpu.memref_squeeze %dma_wait3A_146 : memref<1x128x64xf32, #tpu.memory_space<hbm>> -> memref<128x64xf32, #tpu.memory_space<hbm>>
      %dma_wait3A_148 = arith.constant 0 : i32
      %dma_wait3A_149 = tpu.memref_slice %arg4[%add3A_113, %mul3A_2, %dma_wait3A_148] : memref<200x4096x128xf32, #tpu.memory_space<hbm>> -> memref<1x128x64xf32, #tpu.memory_space<hbm>>
      %dma_wait3A_150 = tpu.memref_squeeze %dma_wait3A_149 : memref<1x128x64xf32, #tpu.memory_space<hbm>> -> memref<128x64xf32, #tpu.memory_space<hbm>>
      %dma_wait3A_151 = arith.constant 0 : i32
      %dma_wait3A_152 = arith.constant 0 : i32
      %dma_wait3A_153 = tpu.memref_slice %arg6[%dma_wait3A_140, %dma_wait3A_151, %dma_wait3A_152] : memref<4x128x64xf32, #tpu.memory_space<vmem>> -> memref<1x128x64xf32, #tpu.memory_space<vmem>>
      %dma_wait3A_154 = tpu.memref_squeeze %dma_wait3A_153 : memref<1x128x64xf32, #tpu.memory_space<vmem>> -> memref<128x64xf32, #tpu.memory_space<vmem>>
      tpu.wait_dma2 semaphore(%arg12 : memref<!tpu.dma_semaphore, #tpu.memory_space<semaphore_mem>>) src(%dma_wait3A_154 : memref<128x64xf32, #tpu.memory_space<vmem>>) dst(%dma_wait3A_150 : memref<128x64xf32, #tpu.memory_space<hbm>>)
      %add3A_155 = arith.constant 4 : i32
      %add3A_156 = arith.addi %add3A_113, %add3A_155 : i32
      %lt3A_157 = arith.constant 200 : i32
      %lt3A_158 = arith.cmpi slt, %add3A_156, %lt3A_157 : i32
      %convert_element_type3A_159 = arith.extui %lt3A_158 : i1 to i32
      %cond3A_160 = arith.constant 0 : i32
      %cond3A_161 = arith.cmpi ne, %convert_element_type3A_159, %cond3A_160 : i32
      scf.if %cond3A_161 {
        %add3A_266 = arith.constant 4 : i32
        %add3A_267 = arith.addi %add3A_113, %add3A_266 : i32
        %dma_start3A_268 = arith.constant 1 : i32
        %dma_start3A_269 = arith.constant 0 : i32
        %dma_start3A_270 = arith.constant 0 : i32
        %dma_start3A_271 = tpu.memref_slice %arg6[%dma_start3A_268, %dma_start3A_269, %dma_start3A_270] : memref<4x128x64xf32, #tpu.memory_space<vmem>> -> memref<1x128x64xf32, #tpu.memory_space<vmem>>
        %dma_start3A_272 = tpu.memref_squeeze %dma_start3A_271 : memref<1x128x64xf32, #tpu.memory_space<vmem>> -> memref<128x64xf32, #tpu.memory_space<vmem>>
        %dma_start3A_273 = arith.constant 0 : i32
        %dma_start3A_274 = tpu.memref_slice %arg5[%add3A_267, %dma_start3A_273] : memref<200x128xi32, #tpu.memory_space<vmem>> -> memref<1x128xi32, #tpu.memory_space<vmem>>
        %dma_start3A_275 = tpu.memref_squeeze %dma_start3A_274 : memref<1x128xi32, #tpu.memory_space<vmem>> -> memref<128xi32, #tpu.memory_space<vmem>>
        %dma_start3A_276 = arith.constant 0 : i32
        %dma_start3A_277 = arith.constant 0 : i32
        %dma_start3A_278 = tpu.memref_slice %arg3[%dma_start3A_276, %dma_start3A_277] : memref<2000000x64xf32, #tpu.memory_space<hbm>> -> memref<2000000x64xf32, #tpu.memory_space<hbm>>
        tpu.enqueue_indirect_dma source(%dma_start3A_278 : memref<2000000x64xf32, #tpu.memory_space<hbm>>) target(%dma_start3A_272 : memref<128x64xf32, #tpu.memory_space<vmem>>) offsets(%dma_start3A_275 : memref<128xi32, #tpu.memory_space<vmem>>) semaphore(%arg8 : memref<!tpu.dma_semaphore, #tpu.memory_space<semaphore_mem>>)
      } else {
      }
      %mul3A_162 = arith.constant 4 : i32
      %mul3A_163 = arith.muli %scan3A_61, %mul3A_162 : i32
      %add3A_164 = arith.constant 2 : i32
      %add3A_165 = arith.addi %mul3A_163, %add3A_164 : i32
      %dma_wait3A_166 = arith.constant 2 : i32
      %dma_wait3A_167 = arith.constant 0 : i32
      %dma_wait3A_168 = arith.constant 0 : i32
      %dma_wait3A_169 = tpu.memref_slice %arg6[%dma_wait3A_166, %dma_wait3A_167, %dma_wait3A_168] : memref<4x128x64xf32, #tpu.memory_space<vmem>> -> memref<1x128x64xf32, #tpu.memory_space<vmem>>
      %dma_wait3A_170 = tpu.memref_squeeze %dma_wait3A_169 : memref<1x128x64xf32, #tpu.memory_space<vmem>> -> memref<128x64xf32, #tpu.memory_space<vmem>>
      %dma_wait3A_171 = arith.constant 0 : i32
      %dma_wait3A_172 = tpu.memref_slice %arg5[%add3A_165, %dma_wait3A_171] : memref<200x128xi32, #tpu.memory_space<vmem>> -> memref<1x128xi32, #tpu.memory_space<vmem>>
      %dma_wait3A_173 = tpu.memref_squeeze %dma_wait3A_172 : memref<1x128xi32, #tpu.memory_space<vmem>> -> memref<128xi32, #tpu.memory_space<vmem>>
      %dma_wait3A_174 = arith.constant 0 : i32
      %dma_wait3A_175 = arith.constant 0 : i32
      %dma_wait3A_176 = tpu.memref_slice %arg3[%dma_wait3A_174, %dma_wait3A_175] : memref<2000000x64xf32, #tpu.memory_space<hbm>> -> memref<2000000x64xf32, #tpu.memory_space<hbm>>
      tpu.wait_indirect_dma semaphore(%arg9 : memref<!tpu.dma_semaphore, #tpu.memory_space<semaphore_mem>>) src(%dma_wait3A_176 : memref<2000000x64xf32, #tpu.memory_space<hbm>>) dst(%dma_wait3A_170 : memref<128x64xf32, #tpu.memory_space<vmem>>)
      %dma_start3A_177 = arith.constant 2 : i32
      %dma_start3A_178 = arith.constant 0 : i32
      %dma_start3A_179 = arith.constant 0 : i32
      %dma_start3A_180 = tpu.memref_slice %arg6[%dma_start3A_177, %dma_start3A_178, %dma_start3A_179] : memref<4x128x64xf32, #tpu.memory_space<vmem>> -> memref<1x128x64xf32, #tpu.memory_space<vmem>>
      %dma_start3A_181 = tpu.memref_squeeze %dma_start3A_180 : memref<1x128x64xf32, #tpu.memory_space<vmem>> -> memref<128x64xf32, #tpu.memory_space<vmem>>
      %dma_start3A_182 = arith.constant 0 : i32
      %dma_start3A_183 = tpu.memref_slice %arg4[%add3A_165, %mul3A_2, %dma_start3A_182] : memref<200x4096x128xf32, #tpu.memory_space<hbm>> -> memref<1x128x64xf32, #tpu.memory_space<hbm>>
      %dma_start3A_184 = tpu.memref_squeeze %dma_start3A_183 : memref<1x128x64xf32, #tpu.memory_space<hbm>> -> memref<128x64xf32, #tpu.memory_space<hbm>>
      %dma_start3A_185 = arith.constant 0 : i32
      %dma_start3A_186 = tpu.memref_slice %arg4[%add3A_165, %mul3A_2, %dma_start3A_185] : memref<200x4096x128xf32, #tpu.memory_space<hbm>> -> memref<1x128x64xf32, #tpu.memory_space<hbm>>
      %dma_start3A_187 = tpu.memref_squeeze %dma_start3A_186 : memref<1x128x64xf32, #tpu.memory_space<hbm>> -> memref<128x64xf32, #tpu.memory_space<hbm>>
      %dma_start3A_188 = arith.constant 0 : i32
      %dma_start3A_189 = arith.constant 0 : i32
      %dma_start3A_190 = tpu.memref_slice %arg6[%dma_start3A_177, %dma_start3A_188, %dma_start3A_189] : memref<4x128x64xf32, #tpu.memory_space<vmem>> -> memref<1x128x64xf32, #tpu.memory_space<vmem>>
      %dma_start3A_191 = tpu.memref_squeeze %dma_start3A_190 : memref<1x128x64xf32, #tpu.memory_space<vmem>> -> memref<128x64xf32, #tpu.memory_space<vmem>>
      tpu.enqueue_dma source(%dma_start3A_191 : memref<128x64xf32, #tpu.memory_space<vmem>>) target(%dma_start3A_187 : memref<128x64xf32, #tpu.memory_space<hbm>>) target_semaphore(%arg13 : memref<!tpu.dma_semaphore, #tpu.memory_space<semaphore_mem>>)
      %dma_wait3A_192 = arith.constant 2 : i32
      %dma_wait3A_193 = arith.constant 0 : i32
      %dma_wait3A_194 = arith.constant 0 : i32
      %dma_wait3A_195 = tpu.memref_slice %arg6[%dma_wait3A_192, %dma_wait3A_193, %dma_wait3A_194] : memref<4x128x64xf32, #tpu.memory_space<vmem>> -> memref<1x128x64xf32, #tpu.memory_space<vmem>>
      %dma_wait3A_196 = tpu.memref_squeeze %dma_wait3A_195 : memref<1x128x64xf32, #tpu.memory_space<vmem>> -> memref<128x64xf32, #tpu.memory_space<vmem>>
      %dma_wait3A_197 = arith.constant 0 : i32
      %dma_wait3A_198 = tpu.memref_slice %arg4[%add3A_165, %mul3A_2, %dma_wait3A_197] : memref<200x4096x128xf32, #tpu.memory_space<hbm>> -> memref<1x128x64xf32, #tpu.memory_space<hbm>>
      %dma_wait3A_199 = tpu.memref_squeeze %dma_wait3A_198 : memref<1x128x64xf32, #tpu.memory_space<hbm>> -> memref<128x64xf32, #tpu.memory_space<hbm>>
      %dma_wait3A_200 = arith.constant 0 : i32
      %dma_wait3A_201 = tpu.memref_slice %arg4[%add3A_165, %mul3A_2, %dma_wait3A_200] : memref<200x4096x128xf32, #tpu.memory_space<hbm>> -> memref<1x128x64xf32, #tpu.memory_space<hbm>>
      %dma_wait3A_202 = tpu.memref_squeeze %dma_wait3A_201 : memref<1x128x64xf32, #tpu.memory_space<hbm>> -> memref<128x64xf32, #tpu.memory_space<hbm>>
      %dma_wait3A_203 = arith.constant 0 : i32
      %dma_wait3A_204 = arith.constant 0 : i32
      %dma_wait3A_205 = tpu.memref_slice %arg6[%dma_wait3A_192, %dma_wait3A_203, %dma_wait3A_204] : memref<4x128x64xf32, #tpu.memory_space<vmem>> -> memref<1x128x64xf32, #tpu.memory_space<vmem>>
      %dma_wait3A_206 = tpu.memref_squeeze %dma_wait3A_205 : memref<1x128x64xf32, #tpu.memory_space<vmem>> -> memref<128x64xf32, #tpu.memory_space<vmem>>
      tpu.wait_dma2 semaphore(%arg13 : memref<!tpu.dma_semaphore, #tpu.memory_space<semaphore_mem>>) src(%dma_wait3A_206 : memref<128x64xf32, #tpu.memory_space<vmem>>) dst(%dma_wait3A_202 : memref<128x64xf32, #tpu.memory_space<hbm>>)
      %add3A_207 = arith.constant 4 : i32
      %add3A_208 = arith.addi %add3A_165, %add3A_207 : i32
      %lt3A_209 = arith.constant 200 : i32
      %lt3A_210 = arith.cmpi slt, %add3A_208, %lt3A_209 : i32
      %convert_element_type3A_211 = arith.extui %lt3A_210 : i1 to i32
      %cond3A_212 = arith.constant 0 : i32
      %cond3A_213 = arith.cmpi ne, %convert_element_type3A_211, %cond3A_212 : i32
      scf.if %cond3A_213 {
        %add3A_266 = arith.constant 4 : i32
        %add3A_267 = arith.addi %add3A_165, %add3A_266 : i32
        %dma_start3A_268 = arith.constant 2 : i32
        %dma_start3A_269 = arith.constant 0 : i32
        %dma_start3A_270 = arith.constant 0 : i32
        %dma_start3A_271 = tpu.memref_slice %arg6[%dma_start3A_268, %dma_start3A_269, %dma_start3A_270] : memref<4x128x64xf32, #tpu.memory_space<vmem>> -> memref<1x128x64xf32, #tpu.memory_space<vmem>>
        %dma_start3A_272 = tpu.memref_squeeze %dma_start3A_271 : memref<1x128x64xf32, #tpu.memory_space<vmem>> -> memref<128x64xf32, #tpu.memory_space<vmem>>
        %dma_start3A_273 = arith.constant 0 : i32
        %dma_start3A_274 = tpu.memref_slice %arg5[%add3A_267, %dma_start3A_273] : memref<200x128xi32, #tpu.memory_space<vmem>> -> memref<1x128xi32, #tpu.memory_space<vmem>>
        %dma_start3A_275 = tpu.memref_squeeze %dma_start3A_274 : memref<1x128xi32, #tpu.memory_space<vmem>> -> memref<128xi32, #tpu.memory_space<vmem>>
        %dma_start3A_276 = arith.constant 0 : i32
        %dma_start3A_277 = arith.constant 0 : i32
        %dma_start3A_278 = tpu.memref_slice %arg3[%dma_start3A_276, %dma_start3A_277] : memref<2000000x64xf32, #tpu.memory_space<hbm>> -> memref<2000000x64xf32, #tpu.memory_space<hbm>>
        tpu.enqueue_indirect_dma source(%dma_start3A_278 : memref<2000000x64xf32, #tpu.memory_space<hbm>>) target(%dma_start3A_272 : memref<128x64xf32, #tpu.memory_space<vmem>>) offsets(%dma_start3A_275 : memref<128xi32, #tpu.memory_space<vmem>>) semaphore(%arg9 : memref<!tpu.dma_semaphore, #tpu.memory_space<semaphore_mem>>)
      } else {
      }
      %mul3A_214 = arith.constant 4 : i32
      %mul3A_215 = arith.muli %scan3A_61, %mul3A_214 : i32
      %add3A_216 = arith.constant 3 : i32
      %add3A_217 = arith.addi %mul3A_215, %add3A_216 : i32
      %dma_wait3A_218 = arith.constant 3 : i32
      %dma_wait3A_219 = arith.constant 0 : i32
      %dma_wait3A_220 = arith.constant 0 : i32
      %dma_wait3A_221 = tpu.memref_slice %arg6[%dma_wait3A_218, %dma_wait3A_219, %dma_wait3A_220] : memref<4x128x64xf32, #tpu.memory_space<vmem>> -> memref<1x128x64xf32, #tpu.memory_space<vmem>>
      %dma_wait3A_222 = tpu.memref_squeeze %dma_wait3A_221 : memref<1x128x64xf32, #tpu.memory_space<vmem>> -> memref<128x64xf32, #tpu.memory_space<vmem>>
      %dma_wait3A_223 = arith.constant 0 : i32
      %dma_wait3A_224 = tpu.memref_slice %arg5[%add3A_217, %dma_wait3A_223] : memref<200x128xi32, #tpu.memory_space<vmem>> -> memref<1x128xi32, #tpu.memory_space<vmem>>
      %dma_wait3A_225 = tpu.memref_squeeze %dma_wait3A_224 : memref<1x128xi32, #tpu.memory_space<vmem>> -> memref<128xi32, #tpu.memory_space<vmem>>
      %dma_wait3A_226 = arith.constant 0 : i32
      %dma_wait3A_227 = arith.constant 0 : i32
      %dma_wait3A_228 = tpu.memref_slice %arg3[%dma_wait3A_226, %dma_wait3A_227] : memref<2000000x64xf32, #tpu.memory_space<hbm>> -> memref<2000000x64xf32, #tpu.memory_space<hbm>>
      tpu.wait_indirect_dma semaphore(%arg10 : memref<!tpu.dma_semaphore, #tpu.memory_space<semaphore_mem>>) src(%dma_wait3A_228 : memref<2000000x64xf32, #tpu.memory_space<hbm>>) dst(%dma_wait3A_222 : memref<128x64xf32, #tpu.memory_space<vmem>>)
      %dma_start3A_229 = arith.constant 3 : i32
      %dma_start3A_230 = arith.constant 0 : i32
      %dma_start3A_231 = arith.constant 0 : i32
      %dma_start3A_232 = tpu.memref_slice %arg6[%dma_start3A_229, %dma_start3A_230, %dma_start3A_231] : memref<4x128x64xf32, #tpu.memory_space<vmem>> -> memref<1x128x64xf32, #tpu.memory_space<vmem>>
      %dma_start3A_233 = tpu.memref_squeeze %dma_start3A_232 : memref<1x128x64xf32, #tpu.memory_space<vmem>> -> memref<128x64xf32, #tpu.memory_space<vmem>>
      %dma_start3A_234 = arith.constant 0 : i32
      %dma_start3A_235 = tpu.memref_slice %arg4[%add3A_217, %mul3A_2, %dma_start3A_234] : memref<200x4096x128xf32, #tpu.memory_space<hbm>> -> memref<1x128x64xf32, #tpu.memory_space<hbm>>
      %dma_start3A_236 = tpu.memref_squeeze %dma_start3A_235 : memref<1x128x64xf32, #tpu.memory_space<hbm>> -> memref<128x64xf32, #tpu.memory_space<hbm>>
      %dma_start3A_237 = arith.constant 0 : i32
      %dma_start3A_238 = tpu.memref_slice %arg4[%add3A_217, %mul3A_2, %dma_start3A_237] : memref<200x4096x128xf32, #tpu.memory_space<hbm>> -> memref<1x128x64xf32, #tpu.memory_space<hbm>>
      %dma_start3A_239 = tpu.memref_squeeze %dma_start3A_238 : memref<1x128x64xf32, #tpu.memory_space<hbm>> -> memref<128x64xf32, #tpu.memory_space<hbm>>
      %dma_start3A_240 = arith.constant 0 : i32
      %dma_start3A_241 = arith.constant 0 : i32
      %dma_start3A_242 = tpu.memref_slice %arg6[%dma_start3A_229, %dma_start3A_240, %dma_start3A_241] : memref<4x128x64xf32, #tpu.memory_space<vmem>> -> memref<1x128x64xf32, #tpu.memory_space<vmem>>
      %dma_start3A_243 = tpu.memref_squeeze %dma_start3A_242 : memref<1x128x64xf32, #tpu.memory_space<vmem>> -> memref<128x64xf32, #tpu.memory_space<vmem>>
      tpu.enqueue_dma source(%dma_start3A_243 : memref<128x64xf32, #tpu.memory_space<vmem>>) target(%dma_start3A_239 : memref<128x64xf32, #tpu.memory_space<hbm>>) target_semaphore(%arg14 : memref<!tpu.dma_semaphore, #tpu.memory_space<semaphore_mem>>)
      %dma_wait3A_244 = arith.constant 3 : i32
      %dma_wait3A_245 = arith.constant 0 : i32
      %dma_wait3A_246 = arith.constant 0 : i32
      %dma_wait3A_247 = tpu.memref_slice %arg6[%dma_wait3A_244, %dma_wait3A_245, %dma_wait3A_246] : memref<4x128x64xf32, #tpu.memory_space<vmem>> -> memref<1x128x64xf32, #tpu.memory_space<vmem>>
      %dma_wait3A_248 = tpu.memref_squeeze %dma_wait3A_247 : memref<1x128x64xf32, #tpu.memory_space<vmem>> -> memref<128x64xf32, #tpu.memory_space<vmem>>
      %dma_wait3A_249 = arith.constant 0 : i32
      %dma_wait3A_250 = tpu.memref_slice %arg4[%add3A_217, %mul3A_2, %dma_wait3A_249] : memref<200x4096x128xf32, #tpu.memory_space<hbm>> -> memref<1x128x64xf32, #tpu.memory_space<hbm>>
      %dma_wait3A_251 = tpu.memref_squeeze %dma_wait3A_250 : memref<1x128x64xf32, #tpu.memory_space<hbm>> -> memref<128x64xf32, #tpu.memory_space<hbm>>
      %dma_wait3A_252 = arith.constant 0 : i32
      %dma_wait3A_253 = tpu.memref_slice %arg4[%add3A_217, %mul3A_2, %dma_wait3A_252] : memref<200x4096x128xf32, #tpu.memory_space<hbm>> -> memref<1x128x64xf32, #tpu.memory_space<hbm>>
      %dma_wait3A_254 = tpu.memref_squeeze %dma_wait3A_253 : memref<1x128x64xf32, #tpu.memory_space<hbm>> -> memref<128x64xf32, #tpu.memory_space<hbm>>
      %dma_wait3A_255 = arith.constant 0 : i32
      %dma_wait3A_256 = arith.constant 0 : i32
      %dma_wait3A_257 = tpu.memref_slice %arg6[%dma_wait3A_244, %dma_wait3A_255, %dma_wait3A_256] : memref<4x128x64xf32, #tpu.memory_space<vmem>> -> memref<1x128x64xf32, #tpu.memory_space<vmem>>
      %dma_wait3A_258 = tpu.memref_squeeze %dma_wait3A_257 : memref<1x128x64xf32, #tpu.memory_space<vmem>> -> memref<128x64xf32, #tpu.memory_space<vmem>>
      tpu.wait_dma2 semaphore(%arg14 : memref<!tpu.dma_semaphore, #tpu.memory_space<semaphore_mem>>) src(%dma_wait3A_258 : memref<128x64xf32, #tpu.memory_space<vmem>>) dst(%dma_wait3A_254 : memref<128x64xf32, #tpu.memory_space<hbm>>)
      %add3A_259 = arith.constant 4 : i32
      %add3A_260 = arith.addi %add3A_217, %add3A_259 : i32
      %lt3A_261 = arith.constant 200 : i32
      %lt3A_262 = arith.cmpi slt, %add3A_260, %lt3A_261 : i32
      %convert_element_type3A_263 = arith.extui %lt3A_262 : i1 to i32
      %cond3A_264 = arith.constant 0 : i32
      %cond3A_265 = arith.cmpi ne, %convert_element_type3A_263, %cond3A_264 : i32
      scf.if %cond3A_265 {
        %add3A_266 = arith.constant 4 : i32
        %add3A_267 = arith.addi %add3A_217, %add3A_266 : i32
        %dma_start3A_268 = arith.constant 3 : i32
        %dma_start3A_269 = arith.constant 0 : i32
        %dma_start3A_270 = arith.constant 0 : i32
        %dma_start3A_271 = tpu.memref_slice %arg6[%dma_start3A_268, %dma_start3A_269, %dma_start3A_270] : memref<4x128x64xf32, #tpu.memory_space<vmem>> -> memref<1x128x64xf32, #tpu.memory_space<vmem>>
        %dma_start3A_272 = tpu.memref_squeeze %dma_start3A_271 : memref<1x128x64xf32, #tpu.memory_space<vmem>> -> memref<128x64xf32, #tpu.memory_space<vmem>>
        %dma_start3A_273 = arith.constant 0 : i32
        %dma_start3A_274 = tpu.memref_slice %arg5[%add3A_267, %dma_start3A_273] : memref<200x128xi32, #tpu.memory_space<vmem>> -> memref<1x128xi32, #tpu.memory_space<vmem>>
        %dma_start3A_275 = tpu.memref_squeeze %dma_start3A_274 : memref<1x128xi32, #tpu.memory_space<vmem>> -> memref<128xi32, #tpu.memory_space<vmem>>
        %dma_start3A_276 = arith.constant 0 : i32
        %dma_start3A_277 = arith.constant 0 : i32
        %dma_start3A_278 = tpu.memref_slice %arg3[%dma_start3A_276, %dma_start3A_277] : memref<2000000x64xf32, #tpu.memory_space<hbm>> -> memref<2000000x64xf32, #tpu.memory_space<hbm>>
        tpu.enqueue_indirect_dma source(%dma_start3A_278 : memref<2000000x64xf32, #tpu.memory_space<hbm>>) target(%dma_start3A_272 : memref<128x64xf32, #tpu.memory_space<vmem>>) offsets(%dma_start3A_275 : memref<128xi32, #tpu.memory_space<vmem>>) semaphore(%arg10 : memref<!tpu.dma_semaphore, #tpu.memory_space<semaphore_mem>>)
      } else {
      }
    }
    %scan3A_60 = arith.constant 50 : i32
    return
  }
}

module attributes {stable_mosaic.version = 14 : i64} {
  func.func @_wprep_body(%arg0: i32, %arg1: memref<64x8192xf32, #tpu.memory_space<vmem>>, %arg2: memref<8192x128xf32, #tpu.memory_space<vmem>>) attributes {dimension_semantics = [#tpu.dimension_semantics<arbitrary>], iteration_bounds = array<i64: 123>, scalar_prefetch = 0 : i64, scratch_operands = 0 : i64, tpu.core_type = #tpu.core_type<tc>, window_params = [{transform_indices = @transform_0, window_bounds = array<i64: 64, 8192>}, {transform_indices = @transform_1, window_bounds = array<i64: 8192, 128>}]} {
    %get3A = arith.constant 0 : index
    %get3A_0 = arith.constant 0 : index
    %get3A_1 = vector.load %arg1[%get3A, %get3A_0] : memref<64x8192xf32, #tpu.memory_space<vmem>>, vector<64x8192xf32>
    %iota3A = tpu.iota {dimensions = array<i32: 0>} : vector<64x64xi32>
    %iota3A_2 = tpu.iota {dimensions = array<i32: 1>} : vector<64x64xi32>
    %eq3A = arith.cmpi eq, %iota3A, %iota3A_2 : vector<64x64xi32>
    %convert_element_type3A = arith.extui %eq3A : vector<64x64xi1> to vector<64x64xi32>
    %convert_element_type3A_3 = arith.sitofp %convert_element_type3A : vector<64x64xi32> to vector<64x64xf32>
    %dot_general3A = arith.constant dense<0.000000e+00> : vector<8192x64xf32>
    %dot_general3A_4 = tpu.matmul %get3A_1, %convert_element_type3A_3, %dot_general3A {dimension_numbers = #tpu.dot_dimension_numbers<[0], [0], [1], [1], [0, 1, 1, 1], [], []>, precision = #tpu.contract_precision<fp32>, transpose_lhs_hint = false} : vector<64x8192xf32>, vector<64x64xf32>, vector<8192x64xf32> -> vector<8192x64xf32>
    %concatenate3A = tpu.concatenate %dot_general3A_4, %dot_general3A_4 in 1 : vector<8192x64xf32>, vector<8192x64xf32> -> vector<8192x128xf32>
    %swap3A = arith.constant 0 : index
    %swap3A_5 = arith.constant 0 : index
    %swap3A_6 = vector.load %arg2[%swap3A, %swap3A_5] : memref<8192x128xf32, #tpu.memory_space<vmem>>, vector<8192x128xf32>
    tpu.vector_store %arg2[%swap3A, %swap3A_5], %concatenate3A {strides = array<i32>} : memref<8192x128xf32, #tpu.memory_space<vmem>>, vector<8192x128xf32>,
    return
  }
  func.func @transform_0(%arg0: i32) -> (i32, i32) {
    %c0_i32 = arith.constant 0 : i32
    %c0_i32_0 = arith.constant 0 : i32
    return %c0_i32, %arg0 : i32, i32
  }
  func.func @transform_1(%arg0: i32) -> (i32, i32) {
    %c0_i32 = arith.constant 0 : i32
    %c0_i32_0 = arith.constant 0 : i32
    return %arg0, %c0_i32 : i32, i32
  }
}

</mosaic_0001>

<sc_bundles>
// kernel: kernel.4.cloned.1.call-start
scs
__scs_entry_jumppad:
0x0: {  	(pc) =	sbr.rel $0x88, $3  }
0x1: {  	(tag) =	ssettag $0x0;
	lr =	simm.s32 $0x1  }
0x2: {  	[smem:$0x3F9F] =	sst lr;
	_ =	strace $0xD0000000  }
0x3: {  	_ = 	snop  }
0x4: {  	_ = 	snop  }
0x5: {  	_ = 	snop  }
0x6: {  	_ = 	snop  }
0x7: {  	_ = 	snop  }
__scs_overlays_trampoline_lowered:
0x8: {  	[smem:$0x3FAE] =	sst s0  }
0x9: {  	[smem:$0x3FAF] =	sst s1  }
0xa: {  	[smem:$0x3FB0] =	sst s2  }
0xb: {  	[smem:$0x3FB1] =	sst s3  }
0xc: {  	[smem:$0x3FB2] =	sst s4  }
0xd: {  	[smem:$0x3FB3] =	sst s5  }
0xe: {  	[smem:$0x3FB4] =	sst s6  }
0xf: {  	[smem:$0x3FB5] =	sst s7  }
0x10: {  	[smem:$0x3FB6] =	sst s8  }
0x11: {  	[smem:$0x3FB7] =	sst s9;
	s0 =	simm.s32 @!p0 $0x0  }
0x12: {  	s1 =	sld [smem:$0x3F9D];
	s0 =	simm.s32 @p0 $0x1  }
0x13: {  	[smem:$0x3FB8] =	sst s0;
	s0 =	simm.s32 @!p1 $0x0  }
0x14: {  	s2 =	sld [smem:$0x3F9C];
	s0 =	simm.s32 @p1 $0x1  }
0x15: {  	[smem:$0x3FB9] =	sst s0;
	s0 =	simm.s32 @!p2 $0x0  }
0x16: {  	s3 =	sld [smem:$0x3FDB];
	s0 =	simm.s32 @p2 $0x1  }
0x17: {  	s4 =	simm.s32 $0x1BF5;
	[smem:$0x3FBB] =	sst s0  }
0x18: {  	s0 =	sld [smem:$0x3F9E];
	_ =	swait.ge [sflag:s4], $0x0  }
0x19: {  	s7 =	sld [smem:$0x3F9F]  }
0x1a: {  	s8 =	sadd.s32 $0xFFFFE003, lr  }
0x1b: {  	s9 =	sadd.s32 $0xFFFFFEF7, lr;
	s5 =	simm.s32 $0xFFFFFFFF;
	p2 =	slt.u32 s8, $0xFFFFF086  }
0x1c: {  	p1 =	slt.u32 s9, $0xF7A;
	s5 =	simm.s32 @!p2 $0x0  }
0x1d: {  	s5 =	simm.s32 @p1 $0x1;
	p0 =	seq.s32 s7, s2  }
0x1e: {  	s7 =	smul.u32 @!p0 $0xF7A, s2;
	p2 =	seq.s32 @!p0 s5, $0x0  }
0x1f: {  	s9 =	smul.u32 $0xF7A, s1;
	s8 =	simm.s32 @!p0 $0x1BF5;
	p2 =	por !p2, p0  }
0x20: {  	[sflag:s8] =	ssyncset.s32 @!p0 $0xFFFFF086;
	s6 =	sadd.s32 @!p0 s3, s7;
	s7 =	simm.s32 @!p0 $0x108  }
0x21: {  	s3 =	sadd.s32 s3, s9;
	s6 =	sadd.s32 @!p0 $0x88, s6;
	s7 =	simm.s32 @p2 $0x1082  }
0x22: {  	[simem:s7], [sflag:s8] =	dma.local @!p0 [hbm:s6], $0xF7A  }
0x23: {  	s9 =	sor.u32 $0xD0000000, s2;
	s6 =	simm.s32 $0x108;
	_ =	swait.ge @!p0 [sflag:s8], $0x0  }
0x24: {  	s3 =	sadd.s32 $0x88, s3;
	s6 =	simm.s32 @!p1 $0x1082;
	[sflag:s4] =	ssyncset.s32 $0xFFFFF086  }
0x25: {  	[simem:s6], [sflag:s4] =	dma.local [hbm:s3], $0xF7A  }
0x26: {  	[smem:$0x3F9F] =	sst s1;
	(tag) =	ssettag s2;
	_ =	strace s9  }
0x27: {  	s1 =	sld [smem:$0x3FAF]  }
0x28: {  	s2 =	sld [smem:$0x3FB0]  }
0x29: {  	s4 =	sld [smem:$0x3FB2]  }
0x2a: {  	p0 =	seq.s32 s5, $0x0;
	s5 =	sld [smem:$0x3FB3]  }
0x2b: {  	s6 =	sld [smem:$0x3FB4]  }
0x2c: {  	s7 =	sld [smem:$0x3FB5]  }
0x2d: {  	s3 =	simm.s32 $0x108;
	s8 =	sld [smem:$0x3FB6]  }
0x2e: {  	s3 =	simm.s32 @!p0 $0x1082;
	s9 =	sld [smem:$0x3FB7]  }
0x2f: {  	lr =	sadd.s32 s0, s3;
	s0 =	sld [smem:$0x3FAE]  }
0x30: {  	s3 =	sld [smem:$0x3FB1]  }
0x31: {  	[smem:$0x3FBA] =	sst s10  }
0x32: {  	s10 =	sld [smem:$0x3FB8];
	_ =	sdelay $0x3  }
0x33: {  	p0 =	seq.s32 s10, $0x1;
	s10 =	sld [smem:$0x3FBA];
	_ =	sdelay $0x3  }
0x34: {  	[smem:$0x3FBA] =	sst s10  }
0x35: {  	s10 =	sld [smem:$0x3FB9];
	_ =	sdelay $0x3  }
0x36: {  	p1 =	seq.s32 s10, $0x1;
	s10 =	sld [smem:$0x3FBA];
	_ =	sdelay $0x3  }
0x37: {  	[smem:$0x3FBA] =	sst s10  }
0x38: {  	s10 =	sld [smem:$0x3FBB]  }
0x39: {  	_ = 	snop;
	(pc) =	sbr.ind lr, $3  }
0x3a: {  	_ = 	snop  }
0x3b: {  	_ = 	snop  }
0x3c: {  	p2 =	seq.s32 s10, $0x1;
	s10 =	sld [smem:$0x3FBA]  }
0x3d: {  	_ =	shalt  }
0x3e: {  	_ =	shalt  }
0x3f: {  	_ =	shalt  }
0x40: {  	_ =	shalt  }
0x41: {  	_ =	shalt  }
0x42: {  	_ =	shalt  }
0x43: {  	_ =	shalt  }
0x44: {  	_ =	shalt  }
0x45: {  	_ =	shalt  }
0x46: {  	_ =	shalt  }
0x47: {  	_ =	shalt  }
0x48: {  	_ =	shalt  }
0x49: {  	_ =	shalt  }
0x4a: {  	_ =	shalt  }
0x4b: {  	_ =	shalt  }
0x4c: {  	_ =	shalt  }
0x4d: {  	_ =	shalt  }
0x4e: {  	_ =	shalt  }
0x4f: {  	_ =	shalt  }
0x50: {  	_ =	shalt  }
0x51: {  	_ =	shalt  }
0x52: {  	_ =	shalt  }
0x53: {  	_ =	shalt  }
0x54: {  	_ =	shalt  }
0x55: {  	_ =	shalt  }
0x56: {  	_ =	shalt  }
0x57: {  	_ =	shalt  }
0x58: {  	_ =	shalt  }
0x59: {  	_ =	shalt  }
0x5a: {  	_ =	shalt  }
0x5b: {  	_ =	shalt  }
0x5c: {  	_ =	shalt  }
0x5d: {  	_ =	shalt  }
0x5e: {  	_ =	shalt  }
0x5f: {  	_ =	shalt  }
0x60: {  	_ =	shalt  }
0x61: {  	_ =	shalt  }
0x62: {  	_ =	shalt  }
0x63: {  	_ =	shalt  }
0x64: {  	_ =	shalt  }
0x65: {  	_ =	shalt  }
0x66: {  	_ =	shalt  }
0x67: {  	_ =	shalt  }
0x68: {  	_ =	shalt  }
0x69: {  	_ =	shalt  }
0x6a: {  	_ =	shalt  }
0x6b: {  	_ =	shalt  }
0x6c: {  	_ =	shalt  }
0x6d: {  	_ =	shalt  }
0x6e: {  	_ =	shalt  }
0x6f: {  	_ =	shalt  }
0x70: {  	_ =	shalt  }
0x71: {  	_ =	shalt  }
0x72: {  	_ =	shalt  }
0x73: {  	_ =	shalt  }
0x74: {  	_ =	shalt  }
0x75: {  	_ =	shalt  }
0x76: {  	_ =	shalt  }
0x77: {  	_ =	shalt  }
0x78: {  	_ =	shalt  }
0x79: {  	_ =	shalt  }
0x7a: {  	_ =	shalt  }
0x7b: {  	_ =	shalt  }
0x7c: {  	_ =	shalt  }
0x7d: {  	_ =	shalt  }
0x7e: {  	_ =	shalt  }
0x7f: {  	_ =	shalt  }
0x80: {  	_ =	shalt  }
0x81: {  	_ =	shalt  }
0x82: {  	_ =	shalt  }
0x83: {  	_ =	shalt  }
0x84: {  	_ =	shalt  }
0x85: {  	_ =	shalt  }
0x86: {  	_ =	shalt  }
0x87: {  	_ =	shalt  }
.Lfunc_end0:
.L_simem_size_0:
called_computation.1_lowered:
.L_overlay_start_0:
0x88: {  	s2 =	sld [smem:$0x3FD9]  }
0x89: {  	s3 =	sld [smem:$0x3FFE];
	_ =	sdelay $0x1  }
0x8a: {  	s1 =	srdreg.scid  }
0x8b: {  	s0 =	sand.u32 $0x1, s1  }
0x8c: {  	s17 =	sshll.u32 s0, $0xA;
	s2 =	sadd.s32 s3, s2  }
0x8d: {  	s2 =	sadd.s32 s2, s17  }
0x8e: {  	[smem:$0x3FC6] =	sst s2  }
0x8f: {  	_ = 	snop  }
0x90: {  	s2 =	sld [smem:$0x3FD0];
	(tm) =	ssettm $0x1  }
0x91: {  	s18 =	sld [smem:$0x3FFB];
	_ =	sdelay $0x3  }
0x92: {  	_ =	strace s18  }
0x93: {  	s3 =	sld [smem:$0x3FFC];
	_ =	sdelay $0x3  }
0x94: {  	_ =	strace s3  }
0x95: {  	s3 =	sld [smem:$0x3FFD];
	_ =	sdelay $0x3  }
0x96: {  	_ =	strace s3  }
0x97: {  	_ =	strace $0x8FFFFFFF  }
0x98: {  	s19 =	sld [smem:$0x3FDB];
	_ =	sdelay $0x1  }
0x99: {  	s4 =	simm.s32 $_scs_section_size  }
0x9a: {  	s5 =	simm.s32 $_size__tile_overlayer_lowered;
	s6 =	simm.s32 $_tile_overlayer_lowered  }
0x9b: {  	s22 =	simm.s32 $0x1BFF;
	s21 =	sshll.u32 s6, $0x1;
	s3 =	sadd.s32 s4, s19  }
0x9c: {  	s7 =	simm.s32 $0x0;
	s20 =	sshll.u32 s5, $0x1;
	s5 =	sadd.s32 s21, s3  }
0x9d: {  	[timem:s7], [sflag:s22] =	dma.local [hbm:s5], s20  }
0x9e: {  	_ =	swait.ge [sflag:s22], s20  }
0x9f: {  	s4 =	ssub.s32 $0x0, s20;
	[sflag:s22] =	ssyncset.done $0x0  }
0xa0: {  	[sflag:s22] =	ssyncadd.s32 s4;
	_ =	sdelay $0x1  }
0xa1: {  	s23 =	simm.s32 $0x1B8B  }
0xa2: {  	_ =	swait.ge [sflag:s23], $0x1  }
0xa3: {  	[sflag:s23] =	ssyncset.done $0x0  }
0xa4: {  	s25 =	simm.s32 $0x1B8E;
	s24 =	sld [smem:$0x3FFE];
	[sflag:s23] =	ssyncadd.s32 $0xFFFFFFFF  }
0xa5: {  	s26 =	simm.s32 $execute0_lowered;
	[smem:$0x3FD2] =	sst s25  }
0xa6: {  	s5 =	sshll.u32 s26, $0x1;
	_ =	strace $0x80000046;
	[dreg:$0x1] =	wrdreg $0xFFFFFFFF  }
0xa7: {  	s28 =	simm.s32 $_size_execute0_lowered;
	s3 =	sadd.s32 s3, s5;
	[dreg:$0x0] =	wrdreg $0x0  }
0xa8: {  	s5 =	sshll.u32 s28, $0x1;
	[dreg:$0x2] =	wrdreg s3  }
0xa9: {  	[dreg:$0x3] =	wrdreg s5  }
0xaa: {  	[dreg:$0x4] =	wrdreg $0xC0  }
0xab: {  	_ =	task [dreg:s7], $0x5FFFF  }
0xac: {  	[dreg:$0x1] =	wrdreg $0xFFFFFFFF  }
0xad: {  	[dreg:$0x0] =	wrdreg $0x60  }
0xae: {  	[dreg:$0x2] =	wrdreg s2  }
0xaf: {  	[dreg:$0x3] =	wrdreg s24  }
0xb0: {  	[dreg:$0x4] =	wrdreg $0x9  }
0xb1: {  	_ =	task.clear_ibuf [dreg:s7], $0x5FFFF;
	_ =	strace $0x90000046  }
0xb2: {  	s29 =	simm.s32 $0x9;
	_ =	strace $0x80000048  }
0xb3: {  	_ =	swait.ge [sflag:s29], $0x1  }
0xb4: {  	[sflag:s29] =	ssyncadd.s32 $0xFFFFFFFF  }
0xb5: {  	_ =	strace $0x90000048  }
0xb6: {  	_ =	sfence  }
0xb7: {  	s30 =	sld [smem:$0x0];
	_ =	sdelay $0x2  }
0xb8: {  	s31 =	sshll.u32 s1, $0xD;
	s1 =	sshrl.u32 s1, $0x2  }
0xb9: {  	s3 =	sand.u32 $0x4000, s31;
	s1 =	sadd.s32 s1, s30  }
0xba: {  	s0 =	sor.u32 s3, s0;
	s1 =	sshll.u32 s1, $0x11  }
0xbb: {  	s0 =	sor.u32 s1, s0  }
0xbc: {  	s0 =	sadd.s32 $0x8F2B, s0  }
0xbd: {  	[sflag:s0] =	ssyncadd.remote.s32 $0x1  }
0xbe: {  	_ =	sfence.sel $0xFFFF  }
0xbf: {  	[dreg:$0x0] =	wrdreg $0xFFFFFFFF;
	(pc) =	sbr.abs _section_cstart, $3  }
0xc0: {  	[dreg:$0x1] =	wrdreg $0xFFFFFFFF  }
0xc1: {  	_ =	task.clear_ibuf [dreg:s7], $0x2FFFF;
	_ =	strace $0x9FFFFFFF  }
0xc2: {  	(tm) =	ssettm $0x7FFFFFFF  }
0xc3: {  	_ =	shalt  }
tec
execute0_lowered:
.L_overlay_start_1:
0x0: {  	(tag) =	ssettag $0x1  }
0x1: {  	s0 =	rddreg [dreg:$0x0]  }
0x2: {  	s2 =	rddreg [dreg:$0x1]  }
0x3: {  	s1 =	simm.s32 $0x0;
	s4 =	srdreg.scid;
	s22 =	stileid.u32  }
0x4: {  	s11 =	simm.s32 $0x80;
	s13 =	simm.s32 $0x9;
	s14 =	simm.s32 $0x6400  }
0x5: {  	s15 =	simm.s32 $0x8400;
	s16 =	simm.s32 $0x100;
	s17 =	simm.s32 $0xA400  }
0x6: {  	s18 =	simm.s32 $0x180;
	s19 =	simm.s32 $0xC400;
	s20 =	simm.s32 $0x1  }
0x7: {  	s21 =	simm.s32 $0x40;
	s28 =	simm.s32 $0x4;
	s29 =	simm.s32 $0x8  }
0x8: {  	s30 =	simm.s32 $0x0;
	[smem:$0x7FF] =	sst s1;
	s3 =	sadd.s32 $0x800, s2  }
0x9: {  	s9 =	sand.u32 $0x1, s4;
	s5 =	sshll.u32 s22, $0x8;
	s2 =	sadd.s32 $0xF42C00, s2  }
0xa: {  	s10 =	sshll.u32 s22, $0xC;
	s22 =	simm.s32 $0x5;
	s6 =	sshll.u32 s9, $0x7  }
0xb: {  	_ =	strace $0x80000047;
	s4 =	ssub.s32 $0x2, s9;
	s5 =	sor.u32 s6, s5  }
0xc: {  	s31 =	sshll.u32 s9, $0xB;
	s7 =	sshrl.u32 s4, $0x1;
	s24 =	sshrl.u32 s5, $0x3  }
0xd: {  	s23 =	ssub.s32 s4, s7;
	s25 =	sshll.u32 s5, $0x4;
	s4 =	sadd.s32 s0, s24  }
0xe: {  	s5 =	smax.u32 s23, $0x1;
	s26 =	sadd.s32 s25, s2;
	s2 =	sadd.s32 s10, s2  }
0xf: {  	s23 =	simm.s32 $0x2;
	s24 =	simm.s32 $0x6;
	s25 =	simm.s32 $0x3  }
0x10: {  	s6 =	sadd.s32 $0xC40000, s26;
	s7 =	sadd.s32 $0xC50000, s26;
	s8 =	sadd.s32 $0xC60000, s26  }
0x11: {  	s9 =	sadd.s32 $0xC70000, s26;
	s10 =	sadd.s32 s31, s2;
	s26 =	simm.s32 $0x7  }
.LBB2_1:
0x12: {  	s0 =	simm.s32 $0x0;
	s1 =	simm.s32 $0x1000  }
0x13: {  	[tilespmem:s0], [sflag:$0x9] =	stream.strided.gather [hbm4b:s4+s11], $0x6400, s1, s11, $0x38;
	[tilespmem:$0xE400] =	vst v63  }
0x14: {  	_ =	swait.ge [sflag:s13], $0x6400  }
0x15: {  	[sflag:s13] =	ssyncset.done $0x0  }
0x16: {  	s0 =	simm.s32 $0x0;
	[sflag:s13] =	ssyncadd.s32 $0xFFFF9C00  }
0x17: {  	v2 =	vld [tilespmem:s0+$0x0]  }
0x18: {  	v4 =	vld [tilespmem:s0+$0x10]  }
0x19: {  	v3 =	vld [tilespmem:s0+$0x20]  }
0x1a: {  	v1 =	vld [tilespmem:s0+$0x30]  }
0x1b: {  	v0 =	vld [tilespmem:s0+$0x40]  }
0x1c: {  	v5 =	vshll.u32 v2, $0x1;
	v2 =	vld [tilespmem:s0+$0x50]  }
0x1d: {  	s2 =	simm.s32 $0x200;
	[tilespmem:s0+$0x0] =	vst v5;
	v5 =	vshll.u32 v4, $0x1;
	v4 =	vld [tilespmem:s0+$0x60]  }
.LBB2_2:
0x1e: {  	s31 =	sshra.s32 s2, $0x2;
	p0 =	sne.s32 s2, $0x18E00;
	[tilespmem:s0+$0x10] =	vst v5;
	v3 =	vshll.u32 v3, $0x1;
	v5 =	vld [tilespmem:s0+$0x70]  }
0x1f: {  	v6 =	vld [tilespmem:s31+$0x0];
	[tilespmem:s0+$0x20] =	vst v3;
	v1 =	vshll.u32 v1, $0x1  }
0x20: {  	v7 =	vld [tilespmem:s31+$0x10];
	[tilespmem:s0+$0x30] =	vst v1;
	v0 =	vshll.u32 v0, $0x1  }
.Ltmp0:
0x21: {  	v3 =	vld [tilespmem:s31+$0x20];
	[tilespmem:s0+$0x40] =	vst v0;
	v0 =	vshll.u32 v2, $0x1;
	(pc) =	sbr.rel @p0 .LBB2_2-.Ltmp0, $4  }
0x22: {  	v1 =	vld [tilespmem:s31+$0x30];
	[tilespmem:s0+$0x50] =	vst v0;
	v2 =	vshll.u32 v4, $0x1  }
0x23: {  	v0 =	vld [tilespmem:s31+$0x40];
	[tilespmem:s0+$0x60] =	vst v2;
	v4 =	vshll.u32 v5, $0x1  }
0x24: {  	v5 =	vshll.u32 v6, $0x1;
	v2 =	vld [tilespmem:s31+$0x50];
	[tilespmem:s0+$0x70] =	vst v4;
	s0 =	smov.u32 s31  }
0x25: {  	s2 =	sadd.s32 $0x200, s2;
	[tilespmem:s0+$0x0] =	vst v5;
	v5 =	vshll.u32 v7, $0x1;
	v4 =	vld [tilespmem:s0+$0x60]  }
0x26: {  	[tilespmem:s0+$0x10] =	vst v5;
	v3 =	vshll.u32 v3, $0x1;
	v60 =	vld [tilespmem:s0+$0x70]  }
0x27: {  	[tilespmem:s0+$0x20] =	vst v3;
	v1 =	vshll.u32 v1, $0x1  }
0x28: {  	[tilespmem:s0+$0x30] =	vst v1;
	v0 =	vshll.u32 v0, $0x1  }
0x29: {  	[tilespmem:s0+$0x40] =	vst v0;
	v61 =	vshll.u32 v2, $0x1  }
0x2a: {  	[tilespmem:s0+$0x50] =	vst v61;
	v62 =	vshll.u32 v4, $0x1  }
0x2b: {  	[tilespmem:s0+$0x60] =	vst v62;
	v63 =	vshll.u32 v60, $0x1  }
0x2c: {  	s12 =	simm.s32 $0x0;
	[tilespmem:s0+$0x70] =	vst v63  }
0x2d: {  	[tilespmem:s14], [sflag:$0x1] =	stream.indirect.gather [hbm4b:s3+s11], $0x40, s12, s11, $0xb8;
	[tilespmem:$0xE400] =	vst v63  }
0x2e: {  	_ = 	snop  }
0x2f: {  	[tilespmem:s15], [sflag:$0x2] =	stream.indirect.gather [hbm4b:s3+s11], $0x40, s11, s11, $0xb8;
	[tilespmem:$0xE400] =	vst v63  }
0x30: {  	_ = 	snop  }
0x31: {  	[tilespmem:s17], [sflag:$0x3] =	stream.indirect.gather [hbm4b:s3+s11], $0x40, s16, s11, $0xb8;
	[tilespmem:$0xE400] =	vst v63  }
0x32: {  	_ = 	snop  }
0x33: {  	[tilespmem:s19], [sflag:$0x4] =	stream.indirect.gather [hbm4b:s3+s11], $0x40, s18, s11, $0xb8;
	[tilespmem:$0xE400] =	vst v63  }
0x34: {  	_ =	swait.ge [sflag:s20], $0x2000  }
0x35: {  	[sflag:s20] =	ssyncset.done $0x0  }
0x36: {  	s0 =	sadd.s32 $0x0, s10;
	[sflag:s20] =	ssyncadd.s32 $0xFFFFE000  }
0x37: {  	[hbm4b:s0+s21] =	stream.strided.scatter [tilespmem:s14], [sflag:$0x5], $0x2000, s11, s21, $0x38;
	[tilespmem:$0xE400] =	vst v63  }
0x38: {  	_ =	swait.ge [sflag:s22], $0x2000  }
0x39: {  	[sflag:s22] =	ssyncset.done $0x0  }
0x3a: {  	s2 =	simm.s32 $0x200;
	[sflag:s22] =	ssyncadd.s32 $0xFFFFE000  }
0x3b: {  	[tilespmem:s14], [sflag:$0x1] =	stream.indirect.gather [hbm4b:s3+s11], $0x40, s2, s11, $0xb8;
	[tilespmem:$0xE400] =	vst v63  }
0x3c: {  	_ =	swait.ge [sflag:s23], $0x2000  }
0x3d: {  	[sflag:s23] =	ssyncset.done $0x0  }
0x3e: {  	s1 =	sadd.s32 $0x10000, s0;
	[sflag:s23] =	ssyncadd.s32 $0xFFFFE000  }
0x3f: {  	[hbm4b:s1+s21] =	stream.strided.scatter [tilespmem:s15], [sflag:$0x6], $0x2000, s11, s21, $0x38;
	[tilespmem:$0xE400] =	vst v63  }
0x40: {  	_ =	swait.ge [sflag:s24], $0x2000  }
0x41: {  	[sflag:s24] =	ssyncset.done $0x0  }
0x42: {  	s12 =	simm.s32 $0x280;
	[sflag:s24] =	ssyncadd.s32 $0xFFFFE000  }
0x43: {  	[tilespmem:s15], [sflag:$0x2] =	stream.indirect.gather [hbm4b:s3+s11], $0x40, s12, s11, $0xb8;
	[tilespmem:$0xE400] =	vst v63  }
0x44: {  	_ =	swait.ge [sflag:s25], $0x2000  }
0x45: {  	[sflag:s25] =	ssyncset.done $0x0  }
0x46: {  	s1 =	sadd.s32 $0x20000, s0;
	[sflag:s25] =	ssyncadd.s32 $0xFFFFE000  }
0x47: {  	[hbm4b:s1+s21] =	stream.strided.scatter [tilespmem:s17], [sflag:$0x7], $0x2000, s11, s21, $0x38;
	[tilespmem:$0xE400] =	vst v63  }
0x48: {  	_ =	swait.ge [sflag:s26], $0x2000  }
0x49: {  	[sflag:s26] =	ssyncset.done $0x0  }
0x4a: {  	s12 =	simm.s32 $0x300;
	[sflag:s26] =	ssyncadd.s32 $0xFFFFE000  }
0x4b: {  	[tilespmem:s17], [sflag:$0x3] =	stream.indirect.gather [hbm4b:s3+s11], $0x40, s12, s11, $0xb8;
	[tilespmem:$0xE400] =	vst v63  }
0x4c: {  	_ =	swait.ge [sflag:s28], $0x2000  }
0x4d: {  	[sflag:s28] =	ssyncset.done $0x0  }
0x4e: {  	s0 =	sadd.s32 $0x30000, s0;
	[sflag:s28] =	ssyncadd.s32 $0xFFFFE000  }
0x4f: {  	[hbm4b:s0+s21] =	stream.strided.scatter [tilespmem:s19], [sflag:$0x8], $0x2000, s11, s21, $0x38;
	[tilespmem:$0xE400] =	vst v63  }
0x50: {  	_ =	swait.ge [sflag:s29], $0x2000  }
0x51: {  	s31 =	simm.s32 $0x380;
	[sflag:s29] =	ssyncset.done $0x0  }
0x52: {  	s2 =	simm.s32 $0x580;
	s0 =	simm.s32 $0x40000;
	[sflag:s29] =	ssyncadd.s32 $0xFFFFE000  }
.LBB2_4:
0x53: {  	[tilespmem:s19], [sflag:$0x4] =	stream.indirect.gather [hbm4b:s3+s11], $0x40, s31, s11, $0xb8;
	[tilespmem:$0xE400] =	vst v63  }
0x54: {  	s1 =	smov.u32 s0;
	s31 =	smov.u32 s2  }
0x55: {  	p0 =	sne.s32 s0, $0xC00000;
	s0 =	sadd.s32 $0x40000, s0;
	_ =	swait.ge [sflag:s20], $0x2000  }
0x56: {  	[sflag:s20] =	ssyncset.done $0x0  }
0x57: {  	s1 =	sadd.s32 s1, s10;
	[sflag:s20] =	ssyncadd.s32 $0xFFFFE000  }
0x58: {  	[hbm4b:s1+s21] =	stream.strided.scatter [tilespmem:s14], [sflag:$0x5], $0x2000, s11, s21, $0x38;
	[tilespmem:$0xE400] =	vst v63  }
0x59: {  	_ =	swait.ge [sflag:s22], $0x2000  }
0x5a: {  	[sflag:s22] =	ssyncset.done $0x0  }
0x5b: {  	s12 =	sadd.s32 $0xFFFFFE80, s2;
	[sflag:s22] =	ssyncadd.s32 $0xFFFFE000  }
0x5c: {  	[tilespmem:s14], [sflag:$0x1] =	stream.indirect.gather [hbm4b:s3+s11], $0x40, s12, s11, $0xb8;
	[tilespmem:$0xE400] =	vst v63  }
0x5d: {  	_ =	swait.ge [sflag:s23], $0x2000  }
0x5e: {  	[sflag:s23] =	ssyncset.done $0x0  }
0x5f: {  	s12 =	sadd.s32 $0x10000, s1;
	[sflag:s23] =	ssyncadd.s32 $0xFFFFE000  }
0x60: {  	[hbm4b:s12+s21] =	stream.strided.scatter [tilespmem:s15], [sflag:$0x6], $0x2000, s11, s21, $0x38;
	[tilespmem:$0xE400] =	vst v63  }
0x61: {  	_ =	swait.ge [sflag:s24], $0x2000  }
0x62: {  	[sflag:s24] =	ssyncset.done $0x0  }
0x63: {  	s12 =	sadd.s32 $0xFFFFFF00, s2;
	[sflag:s24] =	ssyncadd.s32 $0xFFFFE000  }
0x64: {  	[tilespmem:s15], [sflag:$0x2] =	stream.indirect.gather [hbm4b:s3+s11], $0x40, s12, s11, $0xb8;
	[tilespmem:$0xE400] =	vst v63  }
0x65: {  	_ =	swait.ge [sflag:s25], $0x2000  }
0x66: {  	[sflag:s25] =	ssyncset.done $0x0  }
0x67: {  	s12 =	sadd.s32 $0x20000, s1;
	[sflag:s25] =	ssyncadd.s32 $0xFFFFE000  }
0x68: {  	[hbm4b:s12+s21] =	stream.strided.scatter [tilespmem:s17], [sflag:$0x7], $0x2000, s11, s21, $0x38;
	[tilespmem:$0xE400] =	vst v63  }
0x69: {  	_ =	swait.ge [sflag:s26], $0x2000  }
0x6a: {  	[sflag:s26] =	ssyncset.done $0x0  }
0x6b: {  	s12 =	sadd.s32 $0xFFFFFF80, s2;
	[sflag:s26] =	ssyncadd.s32 $0xFFFFE000  }
0x6c: {  	[tilespmem:s17], [sflag:$0x3] =	stream.indirect.gather [hbm4b:s3+s11], $0x40, s12, s11, $0xb8;
	[tilespmem:$0xE400] =	vst v63  }
0x6d: {  	_ =	swait.ge [sflag:s28], $0x2000  }
0x6e: {  	[sflag:s28] =	ssyncset.done $0x0  }
.Ltmp1:
0x6f: {  	s1 =	sadd.s32 $0x30000, s1;
	[sflag:s28] =	ssyncadd.s32 $0xFFFFE000;
	(pc) =	sbr.rel @p0 .LBB2_4-.Ltmp1, $4  }
0x70: {  	[hbm4b:s1+s21] =	stream.strided.scatter [tilespmem:s19], [sflag:$0x8], $0x2000, s11, s21, $0x38;
	[tilespmem:$0xE400] =	vst v63  }
0x71: {  	_ =	swait.ge [sflag:s29], $0x2000  }
0x72: {  	[sflag:s29] =	ssyncset.done $0x0  }
0x73: {  	s2 =	sadd.s32 $0x200, s2;
	[sflag:s29] =	ssyncadd.s32 $0xFFFFE000  }
0x74: {  	[tilespmem:s19], [sflag:$0x4] =	stream.indirect.gather [hbm4b:s3+s11], $0x40, s31, s11, $0xb8;
	[tilespmem:$0xE400] =	vst v63  }
0x75: {  	_ =	swait.ge [sflag:s20], $0x2000  }
0x76: {  	[sflag:s20] =	ssyncset.done $0x0  }
0x77: {  	[sflag:s20] =	ssyncadd.s32 $0xFFFFE000  }
0x78: {  	[hbm4b:s6+s21] =	stream.strided.scatter [tilespmem:s14], [sflag:$0x5], $0x2000, s11, s21, $0x38;
	[tilespmem:$0xE400] =	vst v63  }
0x79: {  	_ =	swait.ge [sflag:s22], $0x2000  }
0x7a: {  	[sflag:s22] =	ssyncset.done $0x0  }
0x7b: {  	[sflag:s22] =	ssyncadd.s32 $0xFFFFE000  }
0x7c: {  	_ =	swait.ge [sflag:s23], $0x2000  }
0x7d: {  	[sflag:s23] =	ssyncset.done $0x0  }
0x7e: {  	[sflag:s23] =	ssyncadd.s32 $0xFFFFE000  }
0x7f: {  	[hbm4b:s7+s21] =	stream.strided.scatter [tilespmem:s15], [sflag:$0x6], $0x2000, s11, s21, $0x38;
	[tilespmem:$0xE400] =	vst v63  }
0x80: {  	_ =	swait.ge [sflag:s24], $0x2000  }
0x81: {  	[sflag:s24] =	ssyncset.done $0x0  }
0x82: {  	[sflag:s24] =	ssyncadd.s32 $0xFFFFE000  }
0x83: {  	_ =	swait.ge [sflag:s25], $0x2000  }
0x84: {  	[sflag:s25] =	ssyncset.done $0x0  }
0x85: {  	[sflag:s25] =	ssyncadd.s32 $0xFFFFE000  }
0x86: {  	[hbm4b:s8+s21] =	stream.strided.scatter [tilespmem:s17], [sflag:$0x7], $0x2000, s11, s21, $0x38;
	[tilespmem:$0xE400] =	vst v63  }
0x87: {  	_ =	swait.ge [sflag:s26], $0x2000  }
0x88: {  	[sflag:s26] =	ssyncset.done $0x0  }
0x89: {  	[sflag:s26] =	ssyncadd.s32 $0xFFFFE000  }
0x8a: {  	s30 =	sadd.s32 $0x1, s30;
	_ =	swait.ge [sflag:s28], $0x2000  }
0x8b: {  	p0 =	sne.s32 s30, s5;
	[sflag:s28] =	ssyncset.done $0x0  }
.Ltmp2:
0x8c: {  	[sflag:s28] =	ssyncadd.s32 $0xFFFFE000;
	(pc) =	sbr.rel @p0 .LBB2_1-.Ltmp2, $4  }
0x8d: {  	[hbm4b:s9+s21] =	stream.strided.scatter [tilespmem:s19], [sflag:$0x8], $0x2000, s11, s21, $0x38;
	[tilespmem:$0xE400] =	vst v63  }
0x8e: {  	_ =	swait.ge [sflag:s29], $0x2000  }
0x8f: {  	[sflag:s29] =	ssyncset.done $0x0  }
0x90: {  	[sflag:s29] =	ssyncadd.s32 $0xFFFFE000  }
0x91: {  	_ =	sfence.sel $0x180000  }
0x92: {  	[bflag:$0x0] =	sbarrier.arrive $0xFFFF  }
0x93: {  	_ =	strace $0x90000047  }
0x94: {  	s0 =	stileid.u32;
	[bflag:$0x2] =	sbarrier.arrive $0xFFFF  }
0x95: {  	p0 =	sne.s32 s0, $0x0;
	s0 =	rddreg [dreg:$0x2]  }
0x96: {  	s0 =	sadd.s32 @!p0 $0x100000, s0  }
0x97: {  	[sflag:s0] =	ssyncadd.tile.s32 @!p0 $0x1;
	_ =	shalt  }
.Lfunc_end2:
_tile_overlayer_lowered:
.L_overlay_start_2:
0x98: {  	(tag) =	ssettag $0x2  }
0x99: {  	s0 =	rddreg [dreg:$0x0];
	s2 =	stileid.u32  }
0x9a: {  	s1 =	rddreg [dreg:$0x1];
	p0 =	sne.s32 s2, $0x0  }
0x9b: {  	s3 =	rddreg [dreg:$0x2];
	[bflag:$0x3] =	sbarrier.arrive $0xFFFF;
	s2 =	simm.s32 @!p0 $0x1C09  }
0x9c: {  	[timem:s3], [sflag:s2] =	dma.local @!p0 [hbm:s0], s1  }
0x9d: {  	s0 =	simm.s32 @!p0 $0x9  }
0x9e: {  	_ =	swait.ge @!p0 [sflag:s0], s1  }
0x9f: {  	s1 =	ssub.s32 @!p0 $0x0, s1;
	[sflag:s0] =	ssyncset.done @!p0 $0x0  }
0xa0: {  	[sflag:s0] =	ssyncadd.s32 @!p0 s1  }
0xa1: {  	[bflag:$0x3] =	sbarrier.arrive $0xFFFF  }
0xa2: {  	_ =	shalt  }

// kernel: sparse-core-data-format-call.cloned.1.call-start
scs
called_computation_lowered:
.L_overlay_start_0:
0x0: {  	s2 =	sld [smem:$0x3FD9]  }
0x1: {  	s3 =	sld [smem:$0x3FFE];
	_ =	sdelay $0x1  }
0x2: {  	s1 =	srdreg.scid  }
0x3: {  	s0 =	sand.u32 $0x1, s1  }
0x4: {  	s18 =	sshll.u32 s0, $0xA;
	s2 =	sadd.s32 s3, s2  }
0x5: {  	s2 =	sadd.s32 s2, s18  }
0x6: {  	[smem:$0x3FC6] =	sst s2  }
0x7: {  	_ = 	snop  }
0x8: {  	s2 =	sld [smem:$0x3FD0];
	(tm) =	ssettm $0x1  }
0x9: {  	s19 =	sld [smem:$0x3FFB];
	_ =	sdelay $0x3  }
0xa: {  	_ =	strace s19  }
0xb: {  	s3 =	sld [smem:$0x3FFC];
	_ =	sdelay $0x3  }
0xc: {  	_ =	strace s3  }
0xd: {  	s3 =	sld [smem:$0x3FFD];
	_ =	sdelay $0x3  }
0xe: {  	_ =	strace s3  }
0xf: {  	_ =	strace $0x8FFFFFFF  }
0x10: {  	s20 =	sld [smem:$0x3FDB];
	_ =	sdelay $0x1  }
0x11: {  	s4 =	simm.s32 $_scs_section_size  }
0x12: {  	s5 =	simm.s32 $_size__tile_overlayer_lowered;
	s6 =	simm.s32 $_tile_overlayer_lowered  }
0x13: {  	s23 =	simm.s32 $0x1BFF;
	s22 =	sshll.u32 s6, $0x1;
	s3 =	sadd.s32 s4, s20  }
0x14: {  	s7 =	simm.s32 $0x0;
	s21 =	sshll.u32 s5, $0x1;
	s5 =	sadd.s32 s22, s3  }
0x15: {  	[timem:s7], [sflag:s23] =	dma.local [hbm:s5], s21  }
0x16: {  	_ =	swait.ge [sflag:s23], s21  }
0x17: {  	s4 =	ssub.s32 $0x0, s21;
	[sflag:s23] =	ssyncset.done $0x0  }
0x18: {  	[sflag:s23] =	ssyncadd.s32 s4;
	_ =	sdelay $0x1  }
0x19: {  	s24 =	simm.s32 $0x1B8B  }
0x1a: {  	_ =	swait.ge [sflag:s24], $0x1  }
0x1b: {  	[sflag:s24] =	ssyncset.done $0x0  }
0x1c: {  	s26 =	simm.s32 $0x1B8E;
	s25 =	sld [smem:$0x3FFE];
	[sflag:s24] =	ssyncadd.s32 $0xFFFFFFFF  }
0x1d: {  	s27 =	simm.s32 $execute0_lowered;
	[smem:$0x3FD2] =	sst s26  }
0x1e: {  	s5 =	sshll.u32 s27, $0x1;
	_ =	strace $0x80000049;
	[dreg:$0x1] =	wrdreg $0xFFFFFFFF  }
0x1f: {  	s28 =	simm.s32 $_size_execute0_lowered;
	s3 =	sadd.s32 s3, s5;
	[dreg:$0x0] =	wrdreg $0x0  }
0x20: {  	s5 =	sshll.u32 s28, $0x1;
	[dreg:$0x2] =	wrdreg s3  }
0x21: {  	[dreg:$0x3] =	wrdreg s5  }
0x22: {  	[dreg:$0x4] =	wrdreg $0xC0  }
0x23: {  	_ =	task [dreg:s7], $0x5FFFF  }
0x24: {  	[dreg:$0x1] =	wrdreg $0xFFFFFFFF  }
0x25: {  	[dreg:$0x0] =	wrdreg $0x60  }
0x26: {  	[dreg:$0x2] =	wrdreg s25  }
0x27: {  	[dreg:$0x3] =	wrdreg s2  }
0x28: {  	[dreg:$0x4] =	wrdreg $0x9  }
0x29: {  	_ =	task.clear_ibuf [dreg:s7], $0x5FFFF;
	_ =	strace $0x90000049  }
0x2a: {  	s29 =	simm.s32 $0x9;
	_ =	strace $0x8000004B  }
0x2b: {  	_ =	swait.ge [sflag:s29], $0x1  }
0x2c: {  	[sflag:s29] =	ssyncadd.s32 $0xFFFFFFFF  }
0x2d: {  	_ =	strace $0x9000004B  }
0x2e: {  	_ =	sfence  }
0x2f: {  	s30 =	sld [smem:$0x0];
	_ =	sdelay $0x2  }
0x30: {  	s31 =	sshll.u32 s1, $0xD;
	s1 =	sshrl.u32 s1, $0x2  }
0x31: {  	s3 =	sand.u32 $0x4000, s31;
	s1 =	sadd.s32 s1, s30  }
0x32: {  	s0 =	sor.u32 s3, s0;
	s1 =	sshll.u32 s1, $0x11  }
0x33: {  	s0 =	sor.u32 s1, s0  }
0x34: {  	s0 =	sadd.s32 $0x8F2B, s0  }
0x35: {  	[sflag:s0] =	ssyncadd.remote.s32 $0x1  }
0x36: {  	_ =	sfence.sel $0xFFFF  }
0x37: {  	[dreg:$0x0] =	wrdreg $0xFFFFFFFF;
	(pc) =	sbr.abs _section_cstart, $3  }
0x38: {  	[dreg:$0x1] =	wrdreg $0xFFFFFFFF  }
0x39: {  	_ =	task.clear_ibuf [dreg:s7], $0x2FFFF;
	_ =	strace $0x9FFFFFFF  }
0x3a: {  	(tm) =	ssettm $0x7FFFFFFF  }
0x3b: {  	_ =	shalt  }
tec
execute0_lowered:
.L_overlay_start_1:
0x0: {  	(tag) =	ssettag $0x1  }
0x1: {  	s0 =	srdreg.scid  }
0x2: {  	s1 =	sshll.u32 s0, $0x4  }
0x3: {  	s5 =	rddreg [dreg:$0x0];
	s0 =	stileid.u32;
	s1 =	sand.u32 $0x10, s1  }
0x4: {  	s3 =	rddreg [dreg:$0x1];
	s31 =	simm.s32 $0x2;
	s4 =	sor.u32 s0, s1  }
0x5: {  	s13 =	simm.s32 $0x0;
	s9 =	simm.s32 $0x400;
	s2 =	sshll.u32 s4, $0x7  }
0x6: {  	s10 =	simm.s32 $0x8000;
	s14 =	simm.s32 $0x0;
	s6 =	ssub.s32 $0x1000, s2  }
0x7: {  	s1 =	rddreg [dreg:$0x2];
	_ =	strace $0x8000004A;
	s7 =	sand.u32 $0xF80, s6  }
0x8: {  	s4 =	sshll.u32 s4, $0xB;
	p0 =	sne.s32 s7, $0x0;
	s7 =	simm.s32 $0x1  }
.Ltmp0:
0x9: {  	s6 =	sshrl.u32 s6, $0xC;
	s7 =	simm.s32 @!p0 $0x0;
	(pc) =	sbr.rel .LBB1_1-.Ltmp0, $4  }
0xa: {  	s8 =	sadd.s32 s4, s5;
	s4 =	simm.s32 $0x1;
	s30 =	sadd.s32 s7, s6  }
0xb: {  	s11 =	simm.s32 $0x0;
	[sflag:s4] =	ssyncpa.u1 $0x0;
	s5 =	smul.u32 $0x64, s30  }
0xc: {  	s12 =	simm.s32 $0x0;
	[sflag:s31] =	ssyncpa.u1 $0x0;
	p0 =	por $0x0, $0x0  }
0xd: {  	s6 =	sadd.s32 $0xF42C00, s8;
	s7 =	sadd.s32 $0xF52C00, s8;
	s8 =	sor.u32 $0x1, s5  }
.LBB1_7:
0xe: {  	s15 =	sadd.s32 $0x2, s11  }
0xf: {  	p2 =	sgt.s32 s15, $0xC7  }
0x10: {  	s15 =	simm.s32 @p2 $0x0;
	p2 =	sne.s32 s12, s8  }
.Ltmp1:
0x11: {  	p1 =	slt.u32 s12, $0x2;
	(pc) =	sbr.rel @!p2 .LBB1_8-.Ltmp1, $4  }
0x12: {  	s13 =	simm.s32 @!p1 $0x2  }
0x13: {  	s16 =	sadd.s32 $0x1, s12;
	s14 =	smov.u32 s11;
	_ =	swait.ge @!p1 [sflag:s13], $0x4000  }
0x14: {  	p0 =	por !p0, !p0;
	s12 =	smov.u32 s16;
	[sflag:s13] =	ssyncset.done @!p1 $0x0  }
0x15: {  	s11 =	smov.u32 s15;
	[sflag:s13] =	ssyncadd.s32 @!p1 $0xFFFFC000;
	s13 =	smov.u32 s2  }
.LBB1_1:
0x16: {  	p1 =	sge.u32 s12, s5  }
0x17: {  	s15 =	sxor.u32 @!p1 $0xFFFFFFFF, s12  }
0x18: {  	s16 =	sshll.u32 @!p1 s11, $0x10;
	s18 =	simm.s32 @!p1 $0x40;
	s15 =	sshll.u32 @!p1 s15, $0xE  }
0x19: {  	s19 =	simm.s32 @!p1 $0x80;
	s17 =	sadd.s32 @!p1 s16, s6;
	s15 =	sand.u32 @!p1 $0x4000, s15  }
0x1a: {  	[tilespmem:s15], [sflag:$0x1] =	stream.strided.gather @!p1 [hbm4b:s17+s18], $0x2000, s19, s18, $0x38;
	[tilespmem:$0x10100] =	vst v63  }
0x1b: {  	s31 =	sadd.s32 $0xFFFFFFFF, s12;
	s16 =	sadd.s32 @!p1 s16, s7;
	s15 =	sor.u32 @!p1 $0x2000, s15  }
0x1c: {  	[tilespmem:s15], [sflag:$0x1] =	stream.strided.gather @!p1 [hbm4b:s16+s18], $0x2000, s19, s18, $0x38;
	[tilespmem:$0x10100] =	vst v63  }
0x1d: {  	p1 =	sge.u32 s31, s5  }
.Ltmp2:
0x1e: {  	_ = 	snop;
	(pc) =	sbr.rel @p1 .LBB1_7-.Ltmp2, $1  }
0x1f: {  	_ =	sdelay $0x3  }
0x20: {  	s15 =	simm.s32 $0x1;
	s17 =	sand.u32 $0x1, s12  }
0x21: {  	_ =	swait.ge [sflag:s4], $0x4000;
	s15 =	simm.s32 @!p0 $0x0;
	s17 =	smul.u32 $0x10200, s17  }
0x22: {  	p2 =	por $0x1, $0x1;
	[sflag:s4] =	ssyncset.done $0x0;
	s16 =	smul.u32 $0x10200, s15  }
0x23: {  	s18 =	sshll.u32 s15, $0x10;
	[sflag:s4] =	ssyncadd.s32 $0xFFFFC000;
	s30 =	sshrl.u32 s17, $0x2  }
0x24: {  	s31 =	sshrl.u32 s18, $0x2;
	s18 =	simm.s32 $0x0;
	s16 =	sshrl.u32 s16, $0x2  }
0x25: {  	s15 =	sor.u32 $0x8000, s30;
	s17 =	sadd.s32 $0x20, s31;
	s16 =	sor.u32 $0x8000, s16  }
.LBB1_3:
0x26: {  	s19 =	sshll.u32 s18, $0xD  }
0x27: {  	s19 =	sand.u32 $0x3FFFE000, s19  }
0x28: {  	s21 =	sadd.s32 s19, s17  }
0x29: {  	s31 =	smul.u32 $0x8100, s18;
	v3 =	vld [tilespmem:s21+$0x10]  }
0x2a: {  	v1 =	vld [tilespmem:s21+$0xFFFFFFF0]  }
0x2b: {  	s18 =	sshra.s32 s31, $0x2;
	v0 =	vld [tilespmem:s21+$0x0]  }
0x2c: {  	s18 =	sadd.s32 s18, s16;
	v2 =	vld [tilespmem:s21+$0xFFFFFFE0]  }
0x2d: {  	s19 =	sadd.s32 $0x0, s18  }
0x2e: {  	p1 =	por p2, p2;
	s20 =	simm.s32 $0x4;
	s21 =	sadd.s32 $0x40, s21;
	[tilespmem:s19+$0x1830 ss:$0x81] =	vst.msk $0xffff, v3  }
.LBB1_4:
0x2f: {  	v3 =	vld [tilespmem:s21+$0x10];
	p2 =	sne.s32 s20, $0x1FC;
	[tilespmem:s19+$0x810 ss:$0x81] =	vst.msk $0xffff, v1;
	s22 =	smov.u32 s20;
	s20 =	sadd.s32 $0x4, s20  }
.Ltmp3:
0x30: {  	v1 =	vld [tilespmem:s21+$0xFFFFFFF0];
	[tilespmem:s19+$0x1020 ss:$0x81] =	vst.msk $0xffff, v0;
	(pc) =	sbr.rel @p2 .LBB1_4-.Ltmp3, $4  }
0x31: {  	v0 =	vld [tilespmem:s21+$0x0];
	[tilespmem:s19+$0x0 ss:$0x81] =	vst.msk $0xffff, v2  }
0x32: {  	s19 =	sshra.s32 s22, $0x2;
	v2 =	vld [tilespmem:s21+$0xFFFFFFE0]  }
0x33: {  	s19 =	sadd.s32 s19, s18  }
0x34: {  	s21 =	sadd.s32 $0x40, s21;
	[tilespmem:s19+$0x1830 ss:$0x81] =	vst.msk $0xffff, v3  }
.Ltmp4:
0x35: {  	(pc) =	sbr.rel @p1 .LBB1_3-.Ltmp4, $4  }
0x36: {  	_ = 	snop  }
0x37: {  	[tilespmem:s19+$0x810 ss:$0x81] =	vst.msk $0xffff, v1  }
0x38: {  	[tilespmem:s19+$0x1020 ss:$0x81] =	vst.msk $0xffff, v0  }
0x39: {  	s18 =	simm.s32 $0x1;
	p2 =	por $0x0, $0x0;
	[tilespmem:s19+$0x0 ss:$0x81] =	vst.msk $0xffff, v2  }
.Ltmp5:
0x3a: {  	(pc) =	sbr.rel .LBB1_7-.Ltmp5, $4  }
0x3b: {  	s14 =	sshll.u32 s14, $0xF  }
0x3c: {  	s14 =	sadd.s32 s3, s14  }
0x3d: {  	s13 =	sadd.s32 s13, s14  }
0x3e: {  	[hbm4b:s13+s9] =	stream.strided.scatter [tilespmem:s15], [sflag:$0x2], $0x4000, s10, s9, $0x20;
	[tilespmem:$0x10100] =	vst v63  }
.LBB1_8:
0x3f: {  	_ =	sfence.sel $0x180000  }
0x40: {  	s2 =	simm.s32 $0x1;
	[bflag:$0x0] =	sbarrier.arrive $0xFFFF  }
0x41: {  	s31 =	simm.s32 $0x2;
	[sflag:s2] =	ssyncpa.u1 $0x1  }
0x42: {  	[sflag:s31] =	ssyncpa.u1 $0x1  }
0x43: {  	p0 =	sne.s32 s0, $0x0;
	_ =	strace $0x9000004A  }
0x44: {  	s0 =	sadd.s32 @!p0 $0x100000, s1;
	[bflag:$0x2] =	sbarrier.arrive $0xFFFF  }
0x45: {  	[sflag:s0] =	ssyncadd.tile.s32 @!p0 $0x1;
	_ =	shalt  }
.Lfunc_end1:
_tile_overlayer_lowered:
.L_overlay_start_2:
0x46: {  	(tag) =	ssettag $0x2  }
0x47: {  	s0 =	rddreg [dreg:$0x0];
	s2 =	stileid.u32  }
0x48: {  	s1 =	rddreg [dreg:$0x1];
	p0 =	sne.s32 s2, $0x0  }
0x49: {  	s3 =	rddreg [dreg:$0x2];
	[bflag:$0x3] =	sbarrier.arrive $0xFFFF;
	s2 =	simm.s32 @!p0 $0x1C01  }
0x4a: {  	[timem:s3], [sflag:s2] =	dma.local @!p0 [hbm:s0], s1  }
0x4b: {  	s0 =	simm.s32 @!p0 $0x1  }
0x4c: {  	_ =	swait.ge @!p0 [sflag:s0], s1  }
0x4d: {  	s1 =	ssub.s32 @!p0 $0x0, s1;
	[sflag:s0] =	ssyncset.done @!p0 $0x0  }
0x4e: {  	[sflag:s0] =	ssyncadd.s32 @!p0 s1  }
0x4f: {  	[bflag:$0x3] =	sbarrier.arrive $0xFFFF  }
0x50: {  	_ =	shalt  }

</sc_bundles>
